<compile_context>
chip_gen: v7x
topology: tpu7x:2x2x1
jax: 0.10.2.dev20260603
libtpu: 0.0.44.dev20260713+nightly
codegen_flags: <defaults>
</compile_context>

<pallas_src>
import functools

import jax
import jax.numpy as jnp
from jax import lax
from jax.experimental import pallas as pl
from jax.experimental.pallas import tpu as pltpu
from jax.experimental.pallas import tpu_sc as plsc

NN = 10000
NE = 320000
D = 128
NC, NS = 2, 16
NW = NC * NS
HS = 10240
NHIST = 4 * HS
CH = 128
DEG_CHUNKS = (4 * NE) // CH
AGG_CHUNKS = NE // CH
SCORE_CHUNKS = (2 * NE) // CH
NNP = 10240
ROWS_PER_TILE = NNP // NS
HIST_PER_TILE = NHIST // NS

def _degrees_body(idxf_hbm, zeros_hbm, ones_hbm, out_hbm, hist, idxb, ones_v):
    c = lax.axis_index("c")
    s = lax.axis_index("s")
    w = s * NC + c
    pltpu.sync_copy(zeros_hbm, hist.at[pl.ds(s * HIST_PER_TILE, HIST_PER_TILE)])
    pltpu.sync_copy(ones_hbm, ones_v)
    plsc.subcore_barrier()

    def chunk(j, carry):
        cidx = j * NW + w

        @pl.when(cidx < DEG_CHUNKS)
        def _():
            pltpu.sync_copy(idxf_hbm.at[pl.ds(cidx * CH, CH)], idxb.at[0])
            pltpu.sync_copy(ones_v, hist.at[idxb.at[0]], add=True)

        return carry

    lax.fori_loop(0, (DEG_CHUNKS + NW - 1) // NW, chunk, 0)
    plsc.subcore_barrier()
    sl = pl.ds(s * HIST_PER_TILE, HIST_PER_TILE)
    pltpu.sync_copy(hist.at[sl], out_hbm.at[c, 0, sl])


def _agg_body(src_hbm, dst_hbm, z_hbm, zrows_hbm, out_hbm, acc, sidx, didx, rows, sem):
    c = lax.axis_index("c")
    s = lax.axis_index("s")
    w = s * NC + c
    pltpu.sync_copy(zrows_hbm, acc.at[pl.ds(s * ROWS_PER_TILE, ROWS_PER_TILE)])
    plsc.subcore_barrier()

    def chunk(j, carry):
        cidx = j * NW + w

        @pl.when(cidx < AGG_CHUNKS)
        def _():
            base = cidx * CH
            pltpu.sync_copy(src_hbm.at[pl.ds(base, CH)], sidx)
            pltpu.sync_copy(dst_hbm.at[pl.ds(base, CH)], didx.at[0])
            pltpu.async_copy(z_hbm.at[sidx], rows, sem).wait()
            pltpu.sync_copy(rows, acc.at[didx.at[0]], add=True)

        return carry

    lax.fori_loop(0, (AGG_CHUNKS + NW - 1) // NW, chunk, 0)
    plsc.subcore_barrier()
    sl = pl.ds(s * ROWS_PER_TILE, ROWS_PER_TILE)
    pltpu.sync_copy(acc.at[sl], out_hbm.at[c, sl])


def _score_body(esrc_hbm, edst_hbm, h_hbm, out_hbm, sidx, didx, srows, drows, obuf, sem1, sem2):
    c = lax.axis_index("c")
    s = lax.axis_index("s")
    w = s * NC + c

    def chunk(j, carry):
        cidx = j * NW + w

        @pl.when(cidx < SCORE_CHUNKS)
        def _():
            base = cidx * CH
            pltpu.sync_copy(esrc_hbm.at[pl.ds(base, CH)], sidx)
            pltpu.sync_copy(edst_hbm.at[pl.ds(base, CH)], didx)
            cp1 = pltpu.async_copy(h_hbm.at[sidx], srows, sem1)
            cp2 = pltpu.async_copy(h_hbm.at[didx], drows, sem2)
            cp1.wait()
            cp2.wait()
            for g in range(CH // 16):
                eids = lax.iota(jnp.int32, 16) + (g * 16)

                def dot_step(k, acc):
                    kv = jnp.zeros((16,), jnp.int32) + k
                    a = plsc.load_gather(srows, [eids, kv])
                    b = plsc.load_gather(drows, [eids, kv])
                    return acc + a * b

                accv = lax.fori_loop(0, D, dot_step, jnp.zeros((16,), jnp.float32))
                obuf[pl.ds(g * 16, 16)] = accv
            pltpu.sync_copy(obuf, out_hbm.at[pl.ds(base, CH)])

        return carry

    lax.fori_loop(0, (SCORE_CHUNKS + NW - 1) // NW, chunk, 0)


@functools.lru_cache(maxsize=None)
def _sc_kernels():
    mesh = plsc.VectorSubcoreMesh(
        core_axis_name="c", subcore_axis_name="s",
        num_cores=NC, num_subcores=NS)
    degrees = pl.kernel(
        _degrees_body,
        out_type=jax.ShapeDtypeStruct((NC, 1, NHIST), jnp.float32),
        mesh=mesh,
        scratch_types=[
            pltpu.VMEM_SHARED((NHIST,), jnp.float32),
            pltpu.VMEM((1, CH), jnp.int32),
            pltpu.VMEM((CH,), jnp.float32),
        ],
    )
    agg = pl.kernel(
        _agg_body,
        out_type=jax.ShapeDtypeStruct((NC, NNP, D), jnp.float32),
        mesh=mesh,
        scratch_types=[
            pltpu.VMEM_SHARED((NNP, D), jnp.float32),
            pltpu.VMEM((CH,), jnp.int32),
            pltpu.VMEM((1, CH), jnp.int32),
            pltpu.VMEM((CH, D), jnp.float32),
            pltpu.SemaphoreType.DMA,
        ],
    )
    score = pl.kernel(
        _score_body,
        out_type=jax.ShapeDtypeStruct((2 * NE,), jnp.float32),
        mesh=mesh,
        scratch_types=[
            pltpu.VMEM((CH,), jnp.int32),
            pltpu.VMEM((CH,), jnp.int32),
            pltpu.VMEM((CH, D), jnp.float32),
            pltpu.VMEM((CH, D), jnp.float32),
            pltpu.VMEM((CH,), jnp.float32),
            pltpu.SemaphoreType.DMA,
            pltpu.SemaphoreType.DMA,
        ],
        compiler_params=pltpu.CompilerParams(needs_layout_passes=False),
    )
    return degrees, agg, score


def _norm(deg):
    return jnp.where(deg > 0, lax.rsqrt(jnp.maximum(deg, 1.0)), 0.0)


def _tc_pre_body(degp_ref, x_ref, w_ref, z_ref):
    dp = degp_ref[...]
    d = dp[0, 0] + dp[1, 0]
    n_out = _norm(lax.slice(d, (0,), (NN,)))
    xs = x_ref[...] * n_out[:, None]
    z_ref[...] = jnp.dot(xs, w_ref[...], preferred_element_type=jnp.float32)


_tc_pre = pl.pallas_call(
    _tc_pre_body, out_shape=jax.ShapeDtypeStruct((NN, D), jnp.float32))


def _tc_mid_body(degp_ref, aggp_ref, b1_ref, w2_ref, z_ref):
    dp = degp_ref[...]
    d = dp[0, 0] + dp[1, 0]
    n_in0 = _norm(lax.slice(d, (HS,), (HS + NN,)))
    n_out1 = _norm(lax.slice(d, (2 * HS,), (2 * HS + NN,)))
    aggp = aggp_ref[...]
    agg = aggp[0, :NN] + aggp[1, :NN]
    h = jnp.maximum(agg * n_in0[:, None] + b1_ref[...][None, :], 0.0)
    z_ref[...] = jnp.dot(h * n_out1[:, None], w2_ref[...],
                         preferred_element_type=jnp.float32)


_tc_mid = pl.pallas_call(
    _tc_mid_body, out_shape=jax.ShapeDtypeStruct((NN, D), jnp.float32))


def _tc_post_body(degp_ref, aggp_ref, b2_ref, h_ref):
    dp = degp_ref[...]
    d = dp[0, 0] + dp[1, 0]
    n_in1 = _norm(lax.slice(d, (3 * HS,), (3 * HS + NN,)))
    aggp = aggp_ref[...]
    agg = aggp[0, :NN] + aggp[1, :NN]
    h_ref[...] = jnp.maximum(agg * n_in1[:, None] + b2_ref[...][None, :], 0.0)


_tc_post = pl.pallas_call(
    _tc_post_body, out_shape=jax.ShapeDtypeStruct((NN, D), jnp.float32))


def kernel(x, blocks0, blocks1, pos_edge_index, neg_edge_index, W1, b1, W2, b2):
    src0 = blocks0[0].astype(jnp.int32)
    dst0 = blocks0[1].astype(jnp.int32)
    src1 = blocks1[0].astype(jnp.int32)
    dst1 = blocks1[1].astype(jnp.int32)
    idxf = jnp.concatenate([src0, dst0 + HS, src1 + 2 * HS, dst1 + 3 * HS])
    zeros_h = jnp.zeros((HIST_PER_TILE,), jnp.float32)
    ones_h = jnp.ones((CH,), jnp.float32)
    zrows = jnp.zeros((ROWS_PER_TILE, D), jnp.float32)

    degrees_k, agg_k, score_k = _sc_kernels()
    degp = degrees_k(idxf, zeros_h, ones_h)
    z1 = _tc_pre(degp, x, W1)
    aggp1 = agg_k(src0, dst0, z1, zrows)
    z2 = _tc_mid(degp, aggp1, b1, W2)
    aggp2 = agg_k(src1, dst1, z2, zrows)
    h2 = _tc_post(degp, aggp2, b2)

    esrc = jnp.concatenate([pos_edge_index[0], neg_edge_index[0]]).astype(jnp.int32)
    edst = jnp.concatenate([pos_edge_index[1], neg_edge_index[1]]).astype(jnp.int32)
    scores = score_k(esrc, edst, h2)
    return (scores[:NE, None], scores[NE:, None])

# --- scband reference (transcript-rebuilt; emitter-appended) ---
"""Pipeline reference for scband-gcnmodel-4733053960250 (READ-ONLY COPY).

The authoritative reference and input builder live on the scoring server;
editing this copy changes nothing except your own understanding.
"""

import jax, jax.numpy as jnp
import numpy as np

N_NODES = 10000
N_EDGES = 320000
D = 128


def _gcn_layer(edge_index, x, W, b, num_nodes):
    # DGL GraphConv with norm='both': D_out^{-1/2} A D_in^{-1/2} X W + b
    src = edge_index[0]
    dst = edge_index[1]
    deg_out = jnp.bincount(src, length=num_nodes).astype(x.dtype)
    deg_in = jnp.bincount(dst, length=num_nodes).astype(x.dtype)
    norm_out = jnp.where(deg_out > 0, jax.lax.rsqrt(jnp.maximum(deg_out, 1.0)), 0.0)
    norm_in = jnp.where(deg_in > 0, jax.lax.rsqrt(jnp.maximum(deg_in, 1.0)), 0.0)
    h = x * norm_out[:, None]
    msg = jnp.take(h, src, axis=0)
    agg = jax.ops.segment_sum(msg, dst, num_segments=num_nodes)
    agg = agg * norm_in[:, None]
    return agg @ W + b


def _u_dot_v(edge_index, x):
    xs = jnp.take(x, edge_index[0], axis=0)
    xd = jnp.take(x, edge_index[1], axis=0)
    return jnp.sum(xs * xd, axis=-1, keepdims=True)


def setup_inputs(seed: int = 0) -> dict:
    key = jax.random.key(seed)
    ks = jax.random.split(key, 10)
    x = jax.random.normal(ks[0], (N_NODES, D), dtype=jnp.float32)
    blocks0 = jax.random.randint(ks[1], (2, N_EDGES), 0, N_NODES, dtype=jnp.int64 if jax.config.jax_enable_x64 else jnp.int32)
    blocks1 = jax.random.randint(ks[2], (2, N_EDGES), 0, N_NODES, dtype=jnp.int64 if jax.config.jax_enable_x64 else jnp.int32)
    pos_edge_index = jax.random.randint(ks[3], (2, N_EDGES), 0, N_NODES, dtype=jnp.int64 if jax.config.jax_enable_x64 else jnp.int32)
    neg_edge_index = jax.random.randint(ks[4], (2, N_EDGES), 0, N_NODES, dtype=jnp.int64 if jax.config.jax_enable_x64 else jnp.int32)
    W1 = jax.random.normal(ks[5], (D, D), dtype=jnp.float32) * 0.05
    b1 = jnp.zeros((D,), dtype=jnp.float32)
    W2 = jax.random.normal(ks[6], (D, D), dtype=jnp.float32) * 0.05
    b2 = jnp.zeros((D,), dtype=jnp.float32)
    return {"x": x, "blocks0": blocks0, "blocks1": blocks1, "pos_edge_index": pos_edge_index, "neg_edge_index": neg_edge_index, "W1": W1, "b1": b1, "W2": W2, "b2": b2}


def reference(x, blocks0, blocks1, pos_edge_index, neg_edge_index, W1, b1, W2, b2):
    h = jax.nn.relu(_gcn_layer(blocks0, x, W1, b1, N_NODES))
    h = jax.nn.relu(_gcn_layer(blocks1, h, W2, b2, N_NODES))
    pos_score = _u_dot_v(pos_edge_index, h)
    neg_score = _u_dot_v(neg_edge_index, h)
    return (pos_score, neg_score)

if __name__ == "__main__":
    import jax
    _d = setup_inputs()
    print(jax.jit(kernel)(*tuple(_d.values())))

</pallas_src>

<mosaic_0001>
#map = affine_map<(d0, d1) -> (0)>
#map1 = affine_map<(d0, d1) -> (0, 0, 0)>
module attributes {stable_mosaic.version = 14 : i64} {
  func.func @_degrees_body(%arg0: i32, %arg1: i32, %arg2: memref<1280000xi32, #tpu.memory_space<hbm>>, %arg3: memref<2560xf32, #tpu.memory_space<hbm>>, %arg4: memref<128xf32, #tpu.memory_space<hbm>>, %arg5: memref<2x1x40960xf32, #tpu.memory_space<hbm>>, %arg6: memref<40960xf32, #tpu.memory_space<vmem_shared>>, %arg7: memref<1x128xi32, #tpu.memory_space<vmem>>, %arg8: memref<128xf32, #tpu.memory_space<vmem>>) attributes {dimension_semantics = [#tpu.dimension_semantics<core_parallel>, #tpu.dimension_semantics<subcore_parallel>], iteration_bounds = array<i64: 2, 16>, scalar_prefetch = 0 : i64, scratch_operands = 3 : i64, tpu.core_type = #tpu.core_type<sc_vector_subcore>, window_params = [{transform_indices = #map}, {transform_indices = #map}, {transform_indices = #map}, {transform_indices = #map1}]} {
    %mul3A = arith.constant 2 : i32
    %mul3A_0 = arith.muli %arg1, %mul3A : i32
    %add3A = arith.addi %mul3A_0, %arg0 : i32
    %mul3A_1 = arith.constant 2560 : i32
    %mul3A_2 = arith.muli %arg1, %mul3A_1 : i32
    "tpu.region"() ({
      %run_scoped3A_11 = tpu.sem_alloc : memref<!tpu.dma_semaphore, #tpu.memory_space<semaphore_mem>>
      %dma_start3A = tpu.memref_slice %arg6[%mul3A_2] : memref<40960xf32, #tpu.memory_space<vmem_shared>> -> memref<2560xf32, #tpu.memory_space<vmem_shared>>
      tpu.enqueue_dma source(%arg3 : memref<2560xf32, #tpu.memory_space<hbm>>) target(%dma_start3A : memref<2560xf32, #tpu.memory_space<vmem_shared>>) target_semaphore(%run_scoped3A_11 : memref<!tpu.dma_semaphore, #tpu.memory_space<semaphore_mem>>)
      %dma_wait3A = tpu.memref_slice %arg6[%mul3A_2] : memref<40960xf32, #tpu.memory_space<vmem_shared>> -> memref<2560xf32, #tpu.memory_space<vmem_shared>>
      tpu.wait_dma2 semaphore(%run_scoped3A_11 : memref<!tpu.dma_semaphore, #tpu.memory_space<semaphore_mem>>) src(%arg3 : memref<2560xf32, #tpu.memory_space<hbm>>) dst(%dma_wait3A : memref<2560xf32, #tpu.memory_space<vmem_shared>>)
      tpu.yield
    }) : () -> ()
    "tpu.region"() ({
      %run_scoped3A_11 = tpu.sem_alloc : memref<!tpu.dma_semaphore, #tpu.memory_space<semaphore_mem>>
      tpu.enqueue_dma source(%arg4 : memref<128xf32, #tpu.memory_space<hbm>>) target(%arg8 : memref<128xf32, #tpu.memory_space<vmem>>) target_semaphore(%run_scoped3A_11 : memref<!tpu.dma_semaphore, #tpu.memory_space<semaphore_mem>>)
      tpu.wait_dma2 semaphore(%run_scoped3A_11 : memref<!tpu.dma_semaphore, #tpu.memory_space<semaphore_mem>>) src(%arg4 : memref<128xf32, #tpu.memory_space<hbm>>) dst(%arg8 : memref<128xf32, #tpu.memory_space<vmem>>)
      tpu.yield
    }) : () -> ()
    %barrier3A = arith.constant 0 : index
    tpu.barrier barrier_id(%barrier3A)
    %scan3A = arith.constant 0 : i32
    %scan3A_3 = arith.constant 0 : i32
    %scan3A_4 = arith.constant 313 : i32
    %scan3A_5 = arith.addi %scan3A_3, %scan3A_4 : i32
    %scan3A_6 = arith.constant 1 : i32
    scf.for %scan3A_11 = %scan3A_3 to %scan3A_5 step %scan3A_6  : i32 {
      %mul3A_12 = arith.constant 32 : i32
      %mul3A_13 = arith.muli %scan3A_11, %mul3A_12 : i32
      %add3A_14 = arith.addi %mul3A_13, %add3A : i32
      %lt3A = arith.constant 10000 : i32
      %lt3A_15 = arith.cmpi slt, %add3A_14, %lt3A : i32
      %convert_element_type3A = arith.extui %lt3A_15 : i1 to i32
      %cond3A = arith.constant 0 : i32
      %cond3A_16 = arith.cmpi ne, %convert_element_type3A, %cond3A : i32
      scf.if %cond3A_16 {
        %mul3A_17 = arith.constant 128 : i32
        %mul3A_18 = arith.muli %add3A_14, %mul3A_17 : i32
        %run_scoped3A_19 = arith.constant 0 : i32
        "tpu.region"() ({
          %run_scoped3A_21 = tpu.sem_alloc : memref<!tpu.dma_semaphore, #tpu.memory_space<semaphore_mem>>
          %dma_start3A = arith.constant 0 : i32
          %dma_start3A_22 = tpu.memref_slice %arg7[%run_scoped3A_19, %dma_start3A] : memref<1x128xi32, #tpu.memory_space<vmem>> -> memref<1x128xi32, #tpu.memory_space<vmem>>
          %dma_start3A_23 = tpu.memref_squeeze %dma_start3A_22 : memref<1x128xi32, #tpu.memory_space<vmem>> -> memref<128xi32, #tpu.memory_space<vmem>>
          %dma_start3A_24 = tpu.memref_slice %arg2[%mul3A_18] : memref<1280000xi32, #tpu.memory_space<hbm>> -> memref<128xi32, #tpu.memory_space<hbm>>
          %dma_start3A_25 = arith.constant 0 : i32
          %dma_start3A_26 = tpu.memref_slice %arg7[%run_scoped3A_19, %dma_start3A_25] : memref<1x128xi32, #tpu.memory_space<vmem>> -> memref<1x128xi32, #tpu.memory_space<vmem>>
          %dma_start3A_27 = tpu.memref_squeeze %dma_start3A_26 : memref<1x128xi32, #tpu.memory_space<vmem>> -> memref<128xi32, #tpu.memory_space<vmem>>
          %dma_start3A_28 = tpu.memref_slice %arg2[%mul3A_18] : memref<1280000xi32, #tpu.memory_space<hbm>> -> memref<128xi32, #tpu.memory_space<hbm>>
          tpu.enqueue_dma source(%dma_start3A_28 : memref<128xi32, #tpu.memory_space<hbm>>) target(%dma_start3A_27 : memref<128xi32, #tpu.memory_space<vmem>>) target_semaphore(%run_scoped3A_21 : memref<!tpu.dma_semaphore, #tpu.memory_space<semaphore_mem>>)
          %dma_wait3A = arith.constant 0 : i32
          %dma_wait3A_29 = tpu.memref_slice %arg7[%run_scoped3A_19, %dma_wait3A] : memref<1x128xi32, #tpu.memory_space<vmem>> -> memref<1x128xi32, #tpu.memory_space<vmem>>
          %dma_wait3A_30 = tpu.memref_squeeze %dma_wait3A_29 : memref<1x128xi32, #tpu.memory_space<vmem>> -> memref<128xi32, #tpu.memory_space<vmem>>
          %dma_wait3A_31 = tpu.memref_slice %arg2[%mul3A_18] : memref<1280000xi32, #tpu.memory_space<hbm>> -> memref<128xi32, #tpu.memory_space<hbm>>
          %dma_wait3A_32 = arith.constant 0 : i32
          %dma_wait3A_33 = tpu.memref_slice %arg7[%run_scoped3A_19, %dma_wait3A_32] : memref<1x128xi32, #tpu.memory_space<vmem>> -> memref<1x128xi32, #tpu.memory_space<vmem>>
          %dma_wait3A_34 = tpu.memref_squeeze %dma_wait3A_33 : memref<1x128xi32, #tpu.memory_space<vmem>> -> memref<128xi32, #tpu.memory_space<vmem>>
          %dma_wait3A_35 = tpu.memref_slice %arg2[%mul3A_18] : memref<1280000xi32, #tpu.memory_space<hbm>> -> memref<128xi32, #tpu.memory_space<hbm>>
          tpu.wait_dma2 semaphore(%run_scoped3A_21 : memref<!tpu.dma_semaphore, #tpu.memory_space<semaphore_mem>>) src(%dma_wait3A_35 : memref<128xi32, #tpu.memory_space<hbm>>) dst(%dma_wait3A_34 : memref<128xi32, #tpu.memory_space<vmem>>)
          tpu.yield
        }) : () -> ()
        %run_scoped3A_20 = arith.constant 0 : i32
        "tpu.region"() ({
          %run_scoped3A_21 = tpu.sem_alloc : memref<!tpu.dma_semaphore, #tpu.memory_space<semaphore_mem>>
          %dma_start3A = arith.constant 0 : i32
          %dma_start3A_22 = tpu.memref_slice %arg7[%run_scoped3A_20, %dma_start3A] : memref<1x128xi32, #tpu.memory_space<vmem>> -> memref<1x128xi32, #tpu.memory_space<vmem>>
          %dma_start3A_23 = tpu.memref_squeeze %dma_start3A_22 : memref<1x128xi32, #tpu.memory_space<vmem>> -> memref<128xi32, #tpu.memory_space<vmem>>
          %dma_start3A_24 = arith.constant 0 : i32
          %dma_start3A_25 = tpu.memref_slice %arg6[%dma_start3A_24] : memref<40960xf32, #tpu.memory_space<vmem_shared>> -> memref<40960xf32, #tpu.memory_space<vmem_shared>>
          tpu.enqueue_indirect_dma source(%arg8 : memref<128xf32, #tpu.memory_space<vmem>>) target(%dma_start3A_25 : memref<40960xf32, #tpu.memory_space<vmem_shared>>) offsets(%dma_start3A_23 : memref<128xi32, #tpu.memory_space<vmem>>) semaphore(%run_scoped3A_21 : memref<!tpu.dma_semaphore, #tpu.memory_space<semaphore_mem>>) {add = true}
          %dma_wait3A = arith.constant 0 : i32
          %dma_wait3A_26 = tpu.memref_slice %arg7[%run_scoped3A_20, %dma_wait3A] : memref<1x128xi32, #tpu.memory_space<vmem>> -> memref<1x128xi32, #tpu.memory_space<vmem>>
          %dma_wait3A_27 = tpu.memref_squeeze %dma_wait3A_26 : memref<1x128xi32, #tpu.memory_space<vmem>> -> memref<128xi32, #tpu.memory_space<vmem>>
          %dma_wait3A_28 = arith.constant 0 : i32
          %dma_wait3A_29 = tpu.memref_slice %arg6[%dma_wait3A_28] : memref<40960xf32, #tpu.memory_space<vmem_shared>> -> memref<40960xf32, #tpu.memory_space<vmem_shared>>
          tpu.wait_indirect_dma semaphore(%run_scoped3A_21 : memref<!tpu.dma_semaphore, #tpu.memory_space<semaphore_mem>>) src(%arg8 : memref<128xf32, #tpu.memory_space<vmem>>) dst(%dma_wait3A_29 : memref<40960xf32, #tpu.memory_space<vmem_shared>>)
          tpu.yield
        }) : () -> ()
      } else {
      }
    }
    %scan3A_7 = arith.constant 313 : i32
    %barrier3A_8 = arith.constant 0 : index
    tpu.barrier barrier_id(%barrier3A_8)
    %mul3A_9 = arith.constant 2560 : i32
    %mul3A_10 = arith.muli %arg1, %mul3A_9 : i32
    %run_scoped3A = arith.constant 0 : i32
    "tpu.region"() ({
      %run_scoped3A_11 = tpu.sem_alloc : memref<!tpu.dma_semaphore, #tpu.memory_space<semaphore_mem>>
      %dma_start3A = tpu.memref_slice %arg5[%arg0, %run_scoped3A, %mul3A_10] : memref<2x1x40960xf32, #tpu.memory_space<hbm>> -> memref<1x1x2560xf32, #tpu.memory_space<hbm>>
      %dma_start3A_12 = tpu.memref_squeeze %dma_start3A : memref<1x1x2560xf32, #tpu.memory_space<hbm>> -> memref<2560xf32, #tpu.memory_space<hbm>>
      %dma_start3A_13 = tpu.memref_slice %arg6[%mul3A_10] : memref<40960xf32, #tpu.memory_space<vmem_shared>> -> memref<2560xf32, #tpu.memory_space<vmem_shared>>
      tpu.enqueue_dma source(%dma_start3A_13 : memref<2560xf32, #tpu.memory_space<vmem_shared>>) target(%dma_start3A_12 : memref<2560xf32, #tpu.memory_space<hbm>>) target_semaphore(%run_scoped3A_11 : memref<!tpu.dma_semaphore, #tpu.memory_space<semaphore_mem>>)
      %dma_wait3A = tpu.memref_slice %arg5[%arg0, %run_scoped3A, %mul3A_10] : memref<2x1x40960xf32, #tpu.memory_space<hbm>> -> memref<1x1x2560xf32, #tpu.memory_space<hbm>>
      %dma_wait3A_14 = tpu.memref_squeeze %dma_wait3A : memref<1x1x2560xf32, #tpu.memory_space<hbm>> -> memref<2560xf32, #tpu.memory_space<hbm>>
      %dma_wait3A_15 = tpu.memref_slice %arg6[%mul3A_10] : memref<40960xf32, #tpu.memory_space<vmem_shared>> -> memref<2560xf32, #tpu.memory_space<vmem_shared>>
      tpu.wait_dma2 semaphore(%run_scoped3A_11 : memref<!tpu.dma_semaphore, #tpu.memory_space<semaphore_mem>>) src(%dma_wait3A_15 : memref<2560xf32, #tpu.memory_space<vmem_shared>>) dst(%dma_wait3A_14 : memref<2560xf32, #tpu.memory_space<hbm>>)
      tpu.yield
    }) : () -> ()
    return
  }
}

#map = affine_map<(d0, d1) -> (0)>
#map1 = affine_map<(d0, d1) -> (0, 0)>
module attributes {stable_mosaic.version = 14 : i64} {
  func.func @_score_body(%arg0: i32, %arg1: i32, %arg2: memref<640000xi32, #tpu.memory_space<hbm>>, %arg3: memref<640000xi32, #tpu.memory_space<hbm>>, %arg4: memref<10000x128xf32, #tpu.memory_space<hbm>>, %arg5: memref<640000xf32, #tpu.memory_space<hbm>>, %arg6: memref<128xi32, #tpu.memory_space<vmem>>, %arg7: memref<128xi32, #tpu.memory_space<vmem>>, %arg8: memref<128x128xf32, #tpu.memory_space<vmem>>, %arg9: memref<128x128xf32, #tpu.memory_space<vmem>>, %arg10: memref<128xf32, #tpu.memory_space<vmem>>, %arg11: memref<!tpu.dma_semaphore, #tpu.memory_space<semaphore_mem>>, %arg12: memref<!tpu.dma_semaphore, #tpu.memory_space<semaphore_mem>>) attributes {dimension_semantics = [#tpu.dimension_semantics<core_parallel>, #tpu.dimension_semantics<subcore_parallel>], iteration_bounds = array<i64: 2, 16>, scalar_prefetch = 0 : i64, scratch_operands = 7 : i64, tpu.core_type = #tpu.core_type<sc_vector_subcore>, window_params = [{transform_indices = #map}, {transform_indices = #map}, {transform_indices = #map1}, {transform_indices = #map}]} {
    %mul3A = arith.constant 2 : i32
    %mul3A_0 = arith.muli %arg1, %mul3A : i32
    %add3A = arith.addi %mul3A_0, %arg0 : i32
    %scan3A = arith.constant 0 : i32
    %scan3A_1 = arith.constant 0 : i32
    %scan3A_2 = arith.constant 157 : i32
    %scan3A_3 = arith.addi %scan3A_1, %scan3A_2 : i32
    %scan3A_4 = arith.constant 1 : i32
    scf.for %scan3A_6 = %scan3A_1 to %scan3A_3 step %scan3A_4  : i32 {
      %mul3A_7 = arith.constant 32 : i32
      %mul3A_8 = arith.muli %scan3A_6, %mul3A_7 : i32
      %add3A_9 = arith.addi %mul3A_8, %add3A : i32
      %lt3A = arith.constant 5000 : i32
      %lt3A_10 = arith.cmpi slt, %add3A_9, %lt3A : i32
      %convert_element_type3A = arith.extui %lt3A_10 : i1 to i32
      %cond3A = arith.constant 0 : i32
      %cond3A_11 = arith.cmpi ne, %convert_element_type3A, %cond3A : i32
      scf.if %cond3A_11 {
        %mul3A_12 = arith.constant 128 : i32
        %mul3A_13 = arith.muli %add3A_9, %mul3A_12 : i32
        "tpu.region"() ({
          %run_scoped3A = tpu.sem_alloc : memref<!tpu.dma_semaphore, #tpu.memory_space<semaphore_mem>>
          %dma_start3A_133 = tpu.memref_slice %arg2[%mul3A_13] : memref<640000xi32, #tpu.memory_space<hbm>> -> memref<128xi32, #tpu.memory_space<hbm>>
          %dma_start3A_134 = tpu.memref_slice %arg2[%mul3A_13] : memref<640000xi32, #tpu.memory_space<hbm>> -> memref<128xi32, #tpu.memory_space<hbm>>
          tpu.enqueue_dma source(%dma_start3A_134 : memref<128xi32, #tpu.memory_space<hbm>>) target(%arg6 : memref<128xi32, #tpu.memory_space<vmem>>) target_semaphore(%run_scoped3A : memref<!tpu.dma_semaphore, #tpu.memory_space<semaphore_mem>>)
          %dma_wait3A_135 = tpu.memref_slice %arg2[%mul3A_13] : memref<640000xi32, #tpu.memory_space<hbm>> -> memref<128xi32, #tpu.memory_space<hbm>>
          %dma_wait3A_136 = tpu.memref_slice %arg2[%mul3A_13] : memref<640000xi32, #tpu.memory_space<hbm>> -> memref<128xi32, #tpu.memory_space<hbm>>
          tpu.wait_dma2 semaphore(%run_scoped3A : memref<!tpu.dma_semaphore, #tpu.memory_space<semaphore_mem>>) src(%dma_wait3A_136 : memref<128xi32, #tpu.memory_space<hbm>>) dst(%arg6 : memref<128xi32, #tpu.memory_space<vmem>>)
          tpu.yield
        }) : () -> ()
        "tpu.region"() ({
          %run_scoped3A = tpu.sem_alloc : memref<!tpu.dma_semaphore, #tpu.memory_space<semaphore_mem>>
          %dma_start3A_133 = tpu.memref_slice %arg3[%mul3A_13] : memref<640000xi32, #tpu.memory_space<hbm>> -> memref<128xi32, #tpu.memory_space<hbm>>
          %dma_start3A_134 = tpu.memref_slice %arg3[%mul3A_13] : memref<640000xi32, #tpu.memory_space<hbm>> -> memref<128xi32, #tpu.memory_space<hbm>>
          tpu.enqueue_dma source(%dma_start3A_134 : memref<128xi32, #tpu.memory_space<hbm>>) target(%arg7 : memref<128xi32, #tpu.memory_space<vmem>>) target_semaphore(%run_scoped3A : memref<!tpu.dma_semaphore, #tpu.memory_space<semaphore_mem>>)
          %dma_wait3A_135 = tpu.memref_slice %arg3[%mul3A_13] : memref<640000xi32, #tpu.memory_space<hbm>> -> memref<128xi32, #tpu.memory_space<hbm>>
          %dma_wait3A_136 = tpu.memref_slice %arg3[%mul3A_13] : memref<640000xi32, #tpu.memory_space<hbm>> -> memref<128xi32, #tpu.memory_space<hbm>>
          tpu.wait_dma2 semaphore(%run_scoped3A : memref<!tpu.dma_semaphore, #tpu.memory_space<semaphore_mem>>) src(%dma_wait3A_136 : memref<128xi32, #tpu.memory_space<hbm>>) dst(%arg7 : memref<128xi32, #tpu.memory_space<vmem>>)
          tpu.yield
        }) : () -> ()
        %dma_start3A = arith.constant 0 : i32
        %dma_start3A_14 = arith.constant 0 : i32
        %dma_start3A_15 = tpu.memref_slice %arg4[%dma_start3A, %dma_start3A_14] : memref<10000x128xf32, #tpu.memory_space<hbm>> -> memref<10000x128xf32, #tpu.memory_space<hbm>>
        tpu.enqueue_indirect_dma source(%dma_start3A_15 : memref<10000x128xf32, #tpu.memory_space<hbm>>) target(%arg8 : memref<128x128xf32, #tpu.memory_space<vmem>>) offsets(%arg6 : memref<128xi32, #tpu.memory_space<vmem>>) semaphore(%arg11 : memref<!tpu.dma_semaphore, #tpu.memory_space<semaphore_mem>>)
        %dma_start3A_16 = arith.constant 0 : i32
        %dma_start3A_17 = arith.constant 0 : i32
        %dma_start3A_18 = tpu.memref_slice %arg4[%dma_start3A_16, %dma_start3A_17] : memref<10000x128xf32, #tpu.memory_space<hbm>> -> memref<10000x128xf32, #tpu.memory_space<hbm>>
        tpu.enqueue_indirect_dma source(%dma_start3A_18 : memref<10000x128xf32, #tpu.memory_space<hbm>>) target(%arg9 : memref<128x128xf32, #tpu.memory_space<vmem>>) offsets(%arg7 : memref<128xi32, #tpu.memory_space<vmem>>) semaphore(%arg12 : memref<!tpu.dma_semaphore, #tpu.memory_space<semaphore_mem>>)
        %dma_wait3A = arith.constant 0 : i32
        %dma_wait3A_19 = arith.constant 0 : i32
        %dma_wait3A_20 = tpu.memref_slice %arg4[%dma_wait3A, %dma_wait3A_19] : memref<10000x128xf32, #tpu.memory_space<hbm>> -> memref<10000x128xf32, #tpu.memory_space<hbm>>
        tpu.wait_indirect_dma semaphore(%arg11 : memref<!tpu.dma_semaphore, #tpu.memory_space<semaphore_mem>>) src(%dma_wait3A_20 : memref<10000x128xf32, #tpu.memory_space<hbm>>) dst(%arg8 : memref<128x128xf32, #tpu.memory_space<vmem>>)
        %dma_wait3A_21 = arith.constant 0 : i32
        %dma_wait3A_22 = arith.constant 0 : i32
        %dma_wait3A_23 = tpu.memref_slice %arg4[%dma_wait3A_21, %dma_wait3A_22] : memref<10000x128xf32, #tpu.memory_space<hbm>> -> memref<10000x128xf32, #tpu.memory_space<hbm>>
        tpu.wait_indirect_dma semaphore(%arg12 : memref<!tpu.dma_semaphore, #tpu.memory_space<semaphore_mem>>) src(%dma_wait3A_23 : memref<10000x128xf32, #tpu.memory_space<hbm>>) dst(%arg9 : memref<128x128xf32, #tpu.memory_space<vmem>>)
        %iota3A = tpu.iota {dimensions = array<i32: 0>} : vector<16xi32>
        %add3A_24 = arith.constant 0 : i32
        %add3A_25 = vector.broadcast %add3A_24 : i32 to vector<16xi32>
        %add3A_26 = arith.addi %iota3A, %add3A_25 : vector<16xi32>
        %broadcast_in_dim3A = arith.constant 0.000000e+00 : f32
        %broadcast_in_dim3A_27 = vector.broadcast %broadcast_in_dim3A : f32 to vector<16xf32>
        %scan3A_28 = arith.constant 0 : i32
        %scan3A_29 = arith.constant 128 : i32
        %scan3A_30 = arith.addi %scan3A_28, %scan3A_29 : i32
        %scan3A_31 = arith.constant 1 : i32
        %scan3A_32 = scf.for %scan3A_133 = %scan3A_28 to %scan3A_30 step %scan3A_31 iter_args(%scan3A_134 = %broadcast_in_dim3A_27) -> (vector<16xf32>)  : i32 {
          %broadcast_in_dim3A_135 = arith.constant 0 : i32
          %broadcast_in_dim3A_136 = vector.broadcast %broadcast_in_dim3A_135 : i32 to vector<16xi32>
          %add3A_137 = vector.broadcast %scan3A_133 : i32 to vector<16xi32>
          %add3A_138 = arith.addi %broadcast_in_dim3A_136, %add3A_137 : vector<16xi32>
          %gather3A = tpu.vector_load_idx %arg8[%add3A_26, %add3A_138] : memref<128x128xf32, #tpu.memory_space<vmem>>[vector<16xi32>, vector<16xi32>], vector<16xf32>,
          %gather3A_139 = tpu.vector_load_idx %arg9[%add3A_26, %add3A_138] : memref<128x128xf32, #tpu.memory_space<vmem>>[vector<16xi32>, vector<16xi32>], vector<16xf32>,
          %mul3A_140 = arith.mulf %gather3A, %gather3A_139 : vector<16xf32>
          %add3A_141 = arith.addf %scan3A_134, %mul3A_140 : vector<16xf32>
          scf.yield %add3A_141 : vector<16xf32>
        }
        %scan3A_33 = arith.constant 128 : i32
        %swap3A = arith.constant 0 : index
        %swap3A_34 = tpu.vector_load %arg10[%swap3A] {strides = array<i32>} : memref<128xf32, #tpu.memory_space<vmem>>, vector<16xf32>,
        tpu.vector_store %arg10[%swap3A], %scan3A_32 {strides = array<i32>} : memref<128xf32, #tpu.memory_space<vmem>>, vector<16xf32>,
        %iota3A_35 = tpu.iota {dimensions = array<i32: 0>} : vector<16xi32>
        %add3A_36 = arith.constant 16 : i32
        %add3A_37 = vector.broadcast %add3A_36 : i32 to vector<16xi32>
        %add3A_38 = arith.addi %iota3A_35, %add3A_37 : vector<16xi32>
        %broadcast_in_dim3A_39 = arith.constant 0.000000e+00 : f32
        %broadcast_in_dim3A_40 = vector.broadcast %broadcast_in_dim3A_39 : f32 to vector<16xf32>
        %scan3A_41 = arith.constant 0 : i32
        %scan3A_42 = arith.constant 128 : i32
        %scan3A_43 = arith.addi %scan3A_41, %scan3A_42 : i32
        %scan3A_44 = arith.constant 1 : i32
        %scan3A_45 = scf.for %scan3A_133 = %scan3A_41 to %scan3A_43 step %scan3A_44 iter_args(%scan3A_134 = %broadcast_in_dim3A_40) -> (vector<16xf32>)  : i32 {
          %broadcast_in_dim3A_135 = arith.constant 0 : i32
          %broadcast_in_dim3A_136 = vector.broadcast %broadcast_in_dim3A_135 : i32 to vector<16xi32>
          %add3A_137 = vector.broadcast %scan3A_133 : i32 to vector<16xi32>
          %add3A_138 = arith.addi %broadcast_in_dim3A_136, %add3A_137 : vector<16xi32>
          %gather3A = tpu.vector_load_idx %arg8[%add3A_38, %add3A_138] : memref<128x128xf32, #tpu.memory_space<vmem>>[vector<16xi32>, vector<16xi32>], vector<16xf32>,
          %gather3A_139 = tpu.vector_load_idx %arg9[%add3A_38, %add3A_138] : memref<128x128xf32, #tpu.memory_space<vmem>>[vector<16xi32>, vector<16xi32>], vector<16xf32>,
          %mul3A_140 = arith.mulf %gather3A, %gather3A_139 : vector<16xf32>
          %add3A_141 = arith.addf %scan3A_134, %mul3A_140 : vector<16xf32>
          scf.yield %add3A_141 : vector<16xf32>
        }
        %scan3A_46 = arith.constant 128 : i32
        %swap3A_47 = arith.constant 16 : index
        %swap3A_48 = tpu.vector_load %arg10[%swap3A_47] {strides = array<i32>} : memref<128xf32, #tpu.memory_space<vmem>>, vector<16xf32>,
        tpu.vector_store %arg10[%swap3A_47], %scan3A_45 {strides = array<i32>} : memref<128xf32, #tpu.memory_space<vmem>>, vector<16xf32>,
        %iota3A_49 = tpu.iota {dimensions = array<i32: 0>} : vector<16xi32>
        %add3A_50 = arith.constant 32 : i32
        %add3A_51 = vector.broadcast %add3A_50 : i32 to vector<16xi32>
        %add3A_52 = arith.addi %iota3A_49, %add3A_51 : vector<16xi32>
        %broadcast_in_dim3A_53 = arith.constant 0.000000e+00 : f32
        %broadcast_in_dim3A_54 = vector.broadcast %broadcast_in_dim3A_53 : f32 to vector<16xf32>
        %scan3A_55 = arith.constant 0 : i32
        %scan3A_56 = arith.constant 128 : i32
        %scan3A_57 = arith.addi %scan3A_55, %scan3A_56 : i32
        %scan3A_58 = arith.constant 1 : i32
        %scan3A_59 = scf.for %scan3A_133 = %scan3A_55 to %scan3A_57 step %scan3A_58 iter_args(%scan3A_134 = %broadcast_in_dim3A_54) -> (vector<16xf32>)  : i32 {
          %broadcast_in_dim3A_135 = arith.constant 0 : i32
          %broadcast_in_dim3A_136 = vector.broadcast %broadcast_in_dim3A_135 : i32 to vector<16xi32>
          %add3A_137 = vector.broadcast %scan3A_133 : i32 to vector<16xi32>
          %add3A_138 = arith.addi %broadcast_in_dim3A_136, %add3A_137 : vector<16xi32>
          %gather3A = tpu.vector_load_idx %arg8[%add3A_52, %add3A_138] : memref<128x128xf32, #tpu.memory_space<vmem>>[vector<16xi32>, vector<16xi32>], vector<16xf32>,
          %gather3A_139 = tpu.vector_load_idx %arg9[%add3A_52, %add3A_138] : memref<128x128xf32, #tpu.memory_space<vmem>>[vector<16xi32>, vector<16xi32>], vector<16xf32>,
          %mul3A_140 = arith.mulf %gather3A, %gather3A_139 : vector<16xf32>
          %add3A_141 = arith.addf %scan3A_134, %mul3A_140 : vector<16xf32>
          scf.yield %add3A_141 : vector<16xf32>
        }
        %scan3A_60 = arith.constant 128 : i32
        %swap3A_61 = arith.constant 32 : index
        %swap3A_62 = tpu.vector_load %arg10[%swap3A_61] {strides = array<i32>} : memref<128xf32, #tpu.memory_space<vmem>>, vector<16xf32>,
        tpu.vector_store %arg10[%swap3A_61], %scan3A_59 {strides = array<i32>} : memref<128xf32, #tpu.memory_space<vmem>>, vector<16xf32>,
        %iota3A_63 = tpu.iota {dimensions = array<i32: 0>} : vector<16xi32>
        %add3A_64 = arith.constant 48 : i32
        %add3A_65 = vector.broadcast %add3A_64 : i32 to vector<16xi32>
        %add3A_66 = arith.addi %iota3A_63, %add3A_65 : vector<16xi32>
        %broadcast_in_dim3A_67 = arith.constant 0.000000e+00 : f32
        %broadcast_in_dim3A_68 = vector.broadcast %broadcast_in_dim3A_67 : f32 to vector<16xf32>
        %scan3A_69 = arith.constant 0 : i32
        %scan3A_70 = arith.constant 128 : i32
        %scan3A_71 = arith.addi %scan3A_69, %scan3A_70 : i32
        %scan3A_72 = arith.constant 1 : i32
        %scan3A_73 = scf.for %scan3A_133 = %scan3A_69 to %scan3A_71 step %scan3A_72 iter_args(%scan3A_134 = %broadcast_in_dim3A_68) -> (vector<16xf32>)  : i32 {
          %broadcast_in_dim3A_135 = arith.constant 0 : i32
          %broadcast_in_dim3A_136 = vector.broadcast %broadcast_in_dim3A_135 : i32 to vector<16xi32>
          %add3A_137 = vector.broadcast %scan3A_133 : i32 to vector<16xi32>
          %add3A_138 = arith.addi %broadcast_in_dim3A_136, %add3A_137 : vector<16xi32>
          %gather3A = tpu.vector_load_idx %arg8[%add3A_66, %add3A_138] : memref<128x128xf32, #tpu.memory_space<vmem>>[vector<16xi32>, vector<16xi32>], vector<16xf32>,
          %gather3A_139 = tpu.vector_load_idx %arg9[%add3A_66, %add3A_138] : memref<128x128xf32, #tpu.memory_space<vmem>>[vector<16xi32>, vector<16xi32>], vector<16xf32>,
          %mul3A_140 = arith.mulf %gather3A, %gather3A_139 : vector<16xf32>
          %add3A_141 = arith.addf %scan3A_134, %mul3A_140 : vector<16xf32>
          scf.yield %add3A_141 : vector<16xf32>
        }
        %scan3A_74 = arith.constant 128 : i32
        %swap3A_75 = arith.constant 48 : index
        %swap3A_76 = tpu.vector_load %arg10[%swap3A_75] {strides = array<i32>} : memref<128xf32, #tpu.memory_space<vmem>>, vector<16xf32>,
        tpu.vector_store %arg10[%swap3A_75], %scan3A_73 {strides = array<i32>} : memref<128xf32, #tpu.memory_space<vmem>>, vector<16xf32>,
        %iota3A_77 = tpu.iota {dimensions = array<i32: 0>} : vector<16xi32>
        %add3A_78 = arith.constant 64 : i32
        %add3A_79 = vector.broadcast %add3A_78 : i32 to vector<16xi32>
        %add3A_80 = arith.addi %iota3A_77, %add3A_79 : vector<16xi32>
        %broadcast_in_dim3A_81 = arith.constant 0.000000e+00 : f32
        %broadcast_in_dim3A_82 = vector.broadcast %broadcast_in_dim3A_81 : f32 to vector<16xf32>
        %scan3A_83 = arith.constant 0 : i32
        %scan3A_84 = arith.constant 128 : i32
        %scan3A_85 = arith.addi %scan3A_83, %scan3A_84 : i32
        %scan3A_86 = arith.constant 1 : i32
        %scan3A_87 = scf.for %scan3A_133 = %scan3A_83 to %scan3A_85 step %scan3A_86 iter_args(%scan3A_134 = %broadcast_in_dim3A_82) -> (vector<16xf32>)  : i32 {
          %broadcast_in_dim3A_135 = arith.constant 0 : i32
          %broadcast_in_dim3A_136 = vector.broadcast %broadcast_in_dim3A_135 : i32 to vector<16xi32>
          %add3A_137 = vector.broadcast %scan3A_133 : i32 to vector<16xi32>
          %add3A_138 = arith.addi %broadcast_in_dim3A_136, %add3A_137 : vector<16xi32>
          %gather3A = tpu.vector_load_idx %arg8[%add3A_80, %add3A_138] : memref<128x128xf32, #tpu.memory_space<vmem>>[vector<16xi32>, vector<16xi32>], vector<16xf32>,
          %gather3A_139 = tpu.vector_load_idx %arg9[%add3A_80, %add3A_138] : memref<128x128xf32, #tpu.memory_space<vmem>>[vector<16xi32>, vector<16xi32>], vector<16xf32>,
          %mul3A_140 = arith.mulf %gather3A, %gather3A_139 : vector<16xf32>
          %add3A_141 = arith.addf %scan3A_134, %mul3A_140 : vector<16xf32>
          scf.yield %add3A_141 : vector<16xf32>
        }
        %scan3A_88 = arith.constant 128 : i32
        %swap3A_89 = arith.constant 64 : index
        %swap3A_90 = tpu.vector_load %arg10[%swap3A_89] {strides = array<i32>} : memref<128xf32, #tpu.memory_space<vmem>>, vector<16xf32>,
        tpu.vector_store %arg10[%swap3A_89], %scan3A_87 {strides = array<i32>} : memref<128xf32, #tpu.memory_space<vmem>>, vector<16xf32>,
        %iota3A_91 = tpu.iota {dimensions = array<i32: 0>} : vector<16xi32>
        %add3A_92 = arith.constant 80 : i32
        %add3A_93 = vector.broadcast %add3A_92 : i32 to vector<16xi32>
        %add3A_94 = arith.addi %iota3A_91, %add3A_93 : vector<16xi32>
        %broadcast_in_dim3A_95 = arith.constant 0.000000e+00 : f32
        %broadcast_in_dim3A_96 = vector.broadcast %broadcast_in_dim3A_95 : f32 to vector<16xf32>
        %scan3A_97 = arith.constant 0 : i32
        %scan3A_98 = arith.constant 128 : i32
        %scan3A_99 = arith.addi %scan3A_97, %scan3A_98 : i32
        %scan3A_100 = arith.constant 1 : i32
        %scan3A_101 = scf.for %scan3A_133 = %scan3A_97 to %scan3A_99 step %scan3A_100 iter_args(%scan3A_134 = %broadcast_in_dim3A_96) -> (vector<16xf32>)  : i32 {
          %broadcast_in_dim3A_135 = arith.constant 0 : i32
          %broadcast_in_dim3A_136 = vector.broadcast %broadcast_in_dim3A_135 : i32 to vector<16xi32>
          %add3A_137 = vector.broadcast %scan3A_133 : i32 to vector<16xi32>
          %add3A_138 = arith.addi %broadcast_in_dim3A_136, %add3A_137 : vector<16xi32>
          %gather3A = tpu.vector_load_idx %arg8[%add3A_94, %add3A_138] : memref<128x128xf32, #tpu.memory_space<vmem>>[vector<16xi32>, vector<16xi32>], vector<16xf32>,
          %gather3A_139 = tpu.vector_load_idx %arg9[%add3A_94, %add3A_138] : memref<128x128xf32, #tpu.memory_space<vmem>>[vector<16xi32>, vector<16xi32>], vector<16xf32>,
          %mul3A_140 = arith.mulf %gather3A, %gather3A_139 : vector<16xf32>
          %add3A_141 = arith.addf %scan3A_134, %mul3A_140 : vector<16xf32>
          scf.yield %add3A_141 : vector<16xf32>
        }
        %scan3A_102 = arith.constant 128 : i32
        %swap3A_103 = arith.constant 80 : index
        %swap3A_104 = tpu.vector_load %arg10[%swap3A_103] {strides = array<i32>} : memref<128xf32, #tpu.memory_space<vmem>>, vector<16xf32>,
        tpu.vector_store %arg10[%swap3A_103], %scan3A_101 {strides = array<i32>} : memref<128xf32, #tpu.memory_space<vmem>>, vector<16xf32>,
        %iota3A_105 = tpu.iota {dimensions = array<i32: 0>} : vector<16xi32>
        %add3A_106 = arith.constant 96 : i32
        %add3A_107 = vector.broadcast %add3A_106 : i32 to vector<16xi32>
        %add3A_108 = arith.addi %iota3A_105, %add3A_107 : vector<16xi32>
        %broadcast_in_dim3A_109 = arith.constant 0.000000e+00 : f32
        %broadcast_in_dim3A_110 = vector.broadcast %broadcast_in_dim3A_109 : f32 to vector<16xf32>
        %scan3A_111 = arith.constant 0 : i32
        %scan3A_112 = arith.constant 128 : i32
        %scan3A_113 = arith.addi %scan3A_111, %scan3A_112 : i32
        %scan3A_114 = arith.constant 1 : i32
        %scan3A_115 = scf.for %scan3A_133 = %scan3A_111 to %scan3A_113 step %scan3A_114 iter_args(%scan3A_134 = %broadcast_in_dim3A_110) -> (vector<16xf32>)  : i32 {
          %broadcast_in_dim3A_135 = arith.constant 0 : i32
          %broadcast_in_dim3A_136 = vector.broadcast %broadcast_in_dim3A_135 : i32 to vector<16xi32>
          %add3A_137 = vector.broadcast %scan3A_133 : i32 to vector<16xi32>
          %add3A_138 = arith.addi %broadcast_in_dim3A_136, %add3A_137 : vector<16xi32>
          %gather3A = tpu.vector_load_idx %arg8[%add3A_108, %add3A_138] : memref<128x128xf32, #tpu.memory_space<vmem>>[vector<16xi32>, vector<16xi32>], vector<16xf32>,
          %gather3A_139 = tpu.vector_load_idx %arg9[%add3A_108, %add3A_138] : memref<128x128xf32, #tpu.memory_space<vmem>>[vector<16xi32>, vector<16xi32>], vector<16xf32>,
          %mul3A_140 = arith.mulf %gather3A, %gather3A_139 : vector<16xf32>
          %add3A_141 = arith.addf %scan3A_134, %mul3A_140 : vector<16xf32>
          scf.yield %add3A_141 : vector<16xf32>
        }
        %scan3A_116 = arith.constant 128 : i32
        %swap3A_117 = arith.constant 96 : index
        %swap3A_118 = tpu.vector_load %arg10[%swap3A_117] {strides = array<i32>} : memref<128xf32, #tpu.memory_space<vmem>>, vector<16xf32>,
        tpu.vector_store %arg10[%swap3A_117], %scan3A_115 {strides = array<i32>} : memref<128xf32, #tpu.memory_space<vmem>>, vector<16xf32>,
        %iota3A_119 = tpu.iota {dimensions = array<i32: 0>} : vector<16xi32>
        %add3A_120 = arith.constant 112 : i32
        %add3A_121 = vector.broadcast %add3A_120 : i32 to vector<16xi32>
        %add3A_122 = arith.addi %iota3A_119, %add3A_121 : vector<16xi32>
        %broadcast_in_dim3A_123 = arith.constant 0.000000e+00 : f32
        %broadcast_in_dim3A_124 = vector.broadcast %broadcast_in_dim3A_123 : f32 to vector<16xf32>
        %scan3A_125 = arith.constant 0 : i32
        %scan3A_126 = arith.constant 128 : i32
        %scan3A_127 = arith.addi %scan3A_125, %scan3A_126 : i32
        %scan3A_128 = arith.constant 1 : i32
        %scan3A_129 = scf.for %scan3A_133 = %scan3A_125 to %scan3A_127 step %scan3A_128 iter_args(%scan3A_134 = %broadcast_in_dim3A_124) -> (vector<16xf32>)  : i32 {
          %broadcast_in_dim3A_135 = arith.constant 0 : i32
          %broadcast_in_dim3A_136 = vector.broadcast %broadcast_in_dim3A_135 : i32 to vector<16xi32>
          %add3A_137 = vector.broadcast %scan3A_133 : i32 to vector<16xi32>
          %add3A_138 = arith.addi %broadcast_in_dim3A_136, %add3A_137 : vector<16xi32>
          %gather3A = tpu.vector_load_idx %arg8[%add3A_122, %add3A_138] : memref<128x128xf32, #tpu.memory_space<vmem>>[vector<16xi32>, vector<16xi32>], vector<16xf32>,
          %gather3A_139 = tpu.vector_load_idx %arg9[%add3A_122, %add3A_138] : memref<128x128xf32, #tpu.memory_space<vmem>>[vector<16xi32>, vector<16xi32>], vector<16xf32>,
          %mul3A_140 = arith.mulf %gather3A, %gather3A_139 : vector<16xf32>
          %add3A_141 = arith.addf %scan3A_134, %mul3A_140 : vector<16xf32>
          scf.yield %add3A_141 : vector<16xf32>
        }
        %scan3A_130 = arith.constant 128 : i32
        %swap3A_131 = arith.constant 112 : index
        %swap3A_132 = tpu.vector_load %arg10[%swap3A_131] {strides = array<i32>} : memref<128xf32, #tpu.memory_space<vmem>>, vector<16xf32>,
        tpu.vector_store %arg10[%swap3A_131], %scan3A_129 {strides = array<i32>} : memref<128xf32, #tpu.memory_space<vmem>>, vector<16xf32>,
        "tpu.region"() ({
          %run_scoped3A = tpu.sem_alloc : memref<!tpu.dma_semaphore, #tpu.memory_space<semaphore_mem>>
          %dma_start3A_133 = tpu.memref_slice %arg5[%mul3A_13] : memref<640000xf32, #tpu.memory_space<hbm>> -> memref<128xf32, #tpu.memory_space<hbm>>
          %dma_start3A_134 = tpu.memref_slice %arg5[%mul3A_13] : memref<640000xf32, #tpu.memory_space<hbm>> -> memref<128xf32, #tpu.memory_space<hbm>>
          tpu.enqueue_dma source(%arg10 : memref<128xf32, #tpu.memory_space<vmem>>) target(%dma_start3A_134 : memref<128xf32, #tpu.memory_space<hbm>>) target_semaphore(%run_scoped3A : memref<!tpu.dma_semaphore, #tpu.memory_space<semaphore_mem>>)
          %dma_wait3A_135 = tpu.memref_slice %arg5[%mul3A_13] : memref<640000xf32, #tpu.memory_space<hbm>> -> memref<128xf32, #tpu.memory_space<hbm>>
          %dma_wait3A_136 = tpu.memref_slice %arg5[%mul3A_13] : memref<640000xf32, #tpu.memory_space<hbm>> -> memref<128xf32, #tpu.memory_space<hbm>>
          tpu.wait_dma2 semaphore(%run_scoped3A : memref<!tpu.dma_semaphore, #tpu.memory_space<semaphore_mem>>) src(%arg10 : memref<128xf32, #tpu.memory_space<vmem>>) dst(%dma_wait3A_136 : memref<128xf32, #tpu.memory_space<hbm>>)
          tpu.yield
        }) : () -> ()
      } else {
      }
    }
    %scan3A_5 = arith.constant 157 : i32
    return
  }
}

#map = affine_map<(d0, d1) -> (0)>
#map1 = affine_map<(d0, d1) -> (0, 0)>
#map2 = affine_map<(d0, d1) -> (0, 0, 0)>
module attributes {stable_mosaic.version = 14 : i64} {
  func.func @_agg_body(%arg0: i32, %arg1: i32, %arg2: memref<320000xi32, #tpu.memory_space<hbm>>, %arg3: memref<320000xi32, #tpu.memory_space<hbm>>, %arg4: memref<10000x128xf32, #tpu.memory_space<hbm>>, %arg5: memref<640x128xf32, #tpu.memory_space<hbm>>, %arg6: memref<2x10240x128xf32, #tpu.memory_space<hbm>>, %arg7: memref<10240x128xf32, #tpu.memory_space<vmem_shared>>, %arg8: memref<128xi32, #tpu.memory_space<vmem>>, %arg9: memref<1x128xi32, #tpu.memory_space<vmem>>, %arg10: memref<128x128xf32, #tpu.memory_space<vmem>>, %arg11: memref<!tpu.dma_semaphore, #tpu.memory_space<semaphore_mem>>) attributes {dimension_semantics = [#tpu.dimension_semantics<core_parallel>, #tpu.dimension_semantics<subcore_parallel>], iteration_bounds = array<i64: 2, 16>, scalar_prefetch = 0 : i64, scratch_operands = 5 : i64, tpu.core_type = #tpu.core_type<sc_vector_subcore>, window_params = [{transform_indices = #map}, {transform_indices = #map}, {transform_indices = #map1}, {transform_indices = #map1}, {transform_indices = #map2}]} {
    %mul3A = arith.constant 2 : i32
    %mul3A_0 = arith.muli %arg1, %mul3A : i32
    %add3A = arith.addi %mul3A_0, %arg0 : i32
    %mul3A_1 = arith.constant 640 : i32
    %mul3A_2 = arith.muli %arg1, %mul3A_1 : i32
    "tpu.region"() ({
      %run_scoped3A = tpu.sem_alloc : memref<!tpu.dma_semaphore, #tpu.memory_space<semaphore_mem>>
      %dma_start3A = arith.constant 0 : i32
      %dma_start3A_11 = tpu.memref_slice %arg7[%mul3A_2, %dma_start3A] : memref<10240x128xf32, #tpu.memory_space<vmem_shared>> -> memref<640x128xf32, #tpu.memory_space<vmem_shared>>
      tpu.enqueue_dma source(%arg5 : memref<640x128xf32, #tpu.memory_space<hbm>>) target(%dma_start3A_11 : memref<640x128xf32, #tpu.memory_space<vmem_shared>>) target_semaphore(%run_scoped3A : memref<!tpu.dma_semaphore, #tpu.memory_space<semaphore_mem>>)
      %dma_wait3A = arith.constant 0 : i32
      %dma_wait3A_12 = tpu.memref_slice %arg7[%mul3A_2, %dma_wait3A] : memref<10240x128xf32, #tpu.memory_space<vmem_shared>> -> memref<640x128xf32, #tpu.memory_space<vmem_shared>>
      tpu.wait_dma2 semaphore(%run_scoped3A : memref<!tpu.dma_semaphore, #tpu.memory_space<semaphore_mem>>) src(%arg5 : memref<640x128xf32, #tpu.memory_space<hbm>>) dst(%dma_wait3A_12 : memref<640x128xf32, #tpu.memory_space<vmem_shared>>)
      tpu.yield
    }) : () -> ()
    %barrier3A = arith.constant 0 : index
    tpu.barrier barrier_id(%barrier3A)
    %scan3A = arith.constant 0 : i32
    %scan3A_3 = arith.constant 0 : i32
    %scan3A_4 = arith.constant 79 : i32
    %scan3A_5 = arith.addi %scan3A_3, %scan3A_4 : i32
    %scan3A_6 = arith.constant 1 : i32
    scf.for %scan3A_11 = %scan3A_3 to %scan3A_5 step %scan3A_6  : i32 {
      %mul3A_12 = arith.constant 32 : i32
      %mul3A_13 = arith.muli %scan3A_11, %mul3A_12 : i32
      %add3A_14 = arith.addi %mul3A_13, %add3A : i32
      %lt3A = arith.constant 2500 : i32
      %lt3A_15 = arith.cmpi slt, %add3A_14, %lt3A : i32
      %convert_element_type3A = arith.extui %lt3A_15 : i1 to i32
      %cond3A = arith.constant 0 : i32
      %cond3A_16 = arith.cmpi ne, %convert_element_type3A, %cond3A : i32
      scf.if %cond3A_16 {
        %mul3A_17 = arith.constant 128 : i32
        %mul3A_18 = arith.muli %add3A_14, %mul3A_17 : i32
        "tpu.region"() ({
          %run_scoped3A_24 = tpu.sem_alloc : memref<!tpu.dma_semaphore, #tpu.memory_space<semaphore_mem>>
          %dma_start3A_25 = tpu.memref_slice %arg2[%mul3A_18] : memref<320000xi32, #tpu.memory_space<hbm>> -> memref<128xi32, #tpu.memory_space<hbm>>
          %dma_start3A_26 = tpu.memref_slice %arg2[%mul3A_18] : memref<320000xi32, #tpu.memory_space<hbm>> -> memref<128xi32, #tpu.memory_space<hbm>>
          tpu.enqueue_dma source(%dma_start3A_26 : memref<128xi32, #tpu.memory_space<hbm>>) target(%arg8 : memref<128xi32, #tpu.memory_space<vmem>>) target_semaphore(%run_scoped3A_24 : memref<!tpu.dma_semaphore, #tpu.memory_space<semaphore_mem>>)
          %dma_wait3A_27 = tpu.memref_slice %arg2[%mul3A_18] : memref<320000xi32, #tpu.memory_space<hbm>> -> memref<128xi32, #tpu.memory_space<hbm>>
          %dma_wait3A_28 = tpu.memref_slice %arg2[%mul3A_18] : memref<320000xi32, #tpu.memory_space<hbm>> -> memref<128xi32, #tpu.memory_space<hbm>>
          tpu.wait_dma2 semaphore(%run_scoped3A_24 : memref<!tpu.dma_semaphore, #tpu.memory_space<semaphore_mem>>) src(%dma_wait3A_28 : memref<128xi32, #tpu.memory_space<hbm>>) dst(%arg8 : memref<128xi32, #tpu.memory_space<vmem>>)
          tpu.yield
        }) : () -> ()
        %run_scoped3A = arith.constant 0 : i32
        "tpu.region"() ({
          %run_scoped3A_24 = tpu.sem_alloc : memref<!tpu.dma_semaphore, #tpu.memory_space<semaphore_mem>>
          %dma_start3A_25 = arith.constant 0 : i32
          %dma_start3A_26 = tpu.memref_slice %arg9[%run_scoped3A, %dma_start3A_25] : memref<1x128xi32, #tpu.memory_space<vmem>> -> memref<1x128xi32, #tpu.memory_space<vmem>>
          %dma_start3A_27 = tpu.memref_squeeze %dma_start3A_26 : memref<1x128xi32, #tpu.memory_space<vmem>> -> memref<128xi32, #tpu.memory_space<vmem>>
          %dma_start3A_28 = tpu.memref_slice %arg3[%mul3A_18] : memref<320000xi32, #tpu.memory_space<hbm>> -> memref<128xi32, #tpu.memory_space<hbm>>
          %dma_start3A_29 = arith.constant 0 : i32
          %dma_start3A_30 = tpu.memref_slice %arg9[%run_scoped3A, %dma_start3A_29] : memref<1x128xi32, #tpu.memory_space<vmem>> -> memref<1x128xi32, #tpu.memory_space<vmem>>
          %dma_start3A_31 = tpu.memref_squeeze %dma_start3A_30 : memref<1x128xi32, #tpu.memory_space<vmem>> -> memref<128xi32, #tpu.memory_space<vmem>>
          %dma_start3A_32 = tpu.memref_slice %arg3[%mul3A_18] : memref<320000xi32, #tpu.memory_space<hbm>> -> memref<128xi32, #tpu.memory_space<hbm>>
          tpu.enqueue_dma source(%dma_start3A_32 : memref<128xi32, #tpu.memory_space<hbm>>) target(%dma_start3A_31 : memref<128xi32, #tpu.memory_space<vmem>>) target_semaphore(%run_scoped3A_24 : memref<!tpu.dma_semaphore, #tpu.memory_space<semaphore_mem>>)
          %dma_wait3A_33 = arith.constant 0 : i32
          %dma_wait3A_34 = tpu.memref_slice %arg9[%run_scoped3A, %dma_wait3A_33] : memref<1x128xi32, #tpu.memory_space<vmem>> -> memref<1x128xi32, #tpu.memory_space<vmem>>
          %dma_wait3A_35 = tpu.memref_squeeze %dma_wait3A_34 : memref<1x128xi32, #tpu.memory_space<vmem>> -> memref<128xi32, #tpu.memory_space<vmem>>
          %dma_wait3A_36 = tpu.memref_slice %arg3[%mul3A_18] : memref<320000xi32, #tpu.memory_space<hbm>> -> memref<128xi32, #tpu.memory_space<hbm>>
          %dma_wait3A_37 = arith.constant 0 : i32
          %dma_wait3A_38 = tpu.memref_slice %arg9[%run_scoped3A, %dma_wait3A_37] : memref<1x128xi32, #tpu.memory_space<vmem>> -> memref<1x128xi32, #tpu.memory_space<vmem>>
          %dma_wait3A_39 = tpu.memref_squeeze %dma_wait3A_38 : memref<1x128xi32, #tpu.memory_space<vmem>> -> memref<128xi32, #tpu.memory_space<vmem>>
          %dma_wait3A_40 = tpu.memref_slice %arg3[%mul3A_18] : memref<320000xi32, #tpu.memory_space<hbm>> -> memref<128xi32, #tpu.memory_space<hbm>>
          tpu.wait_dma2 semaphore(%run_scoped3A_24 : memref<!tpu.dma_semaphore, #tpu.memory_space<semaphore_mem>>) src(%dma_wait3A_40 : memref<128xi32, #tpu.memory_space<hbm>>) dst(%dma_wait3A_39 : memref<128xi32, #tpu.memory_space<vmem>>)
          tpu.yield
        }) : () -> ()
        %dma_start3A = arith.constant 0 : i32
        %dma_start3A_19 = arith.constant 0 : i32
        %dma_start3A_20 = tpu.memref_slice %arg4[%dma_start3A, %dma_start3A_19] : memref<10000x128xf32, #tpu.memory_space<hbm>> -> memref<10000x128xf32, #tpu.memory_space<hbm>>
        tpu.enqueue_indirect_dma source(%dma_start3A_20 : memref<10000x128xf32, #tpu.memory_space<hbm>>) target(%arg10 : memref<128x128xf32, #tpu.memory_space<vmem>>) offsets(%arg8 : memref<128xi32, #tpu.memory_space<vmem>>) semaphore(%arg11 : memref<!tpu.dma_semaphore, #tpu.memory_space<semaphore_mem>>)
        %dma_wait3A = arith.constant 0 : i32
        %dma_wait3A_21 = arith.constant 0 : i32
        %dma_wait3A_22 = tpu.memref_slice %arg4[%dma_wait3A, %dma_wait3A_21] : memref<10000x128xf32, #tpu.memory_space<hbm>> -> memref<10000x128xf32, #tpu.memory_space<hbm>>
        tpu.wait_indirect_dma semaphore(%arg11 : memref<!tpu.dma_semaphore, #tpu.memory_space<semaphore_mem>>) src(%dma_wait3A_22 : memref<10000x128xf32, #tpu.memory_space<hbm>>) dst(%arg10 : memref<128x128xf32, #tpu.memory_space<vmem>>)
        %run_scoped3A_23 = arith.constant 0 : i32
        "tpu.region"() ({
          %run_scoped3A_24 = tpu.sem_alloc : memref<!tpu.dma_semaphore, #tpu.memory_space<semaphore_mem>>
          %dma_start3A_25 = arith.constant 0 : i32
          %dma_start3A_26 = tpu.memref_slice %arg9[%run_scoped3A_23, %dma_start3A_25] : memref<1x128xi32, #tpu.memory_space<vmem>> -> memref<1x128xi32, #tpu.memory_space<vmem>>
          %dma_start3A_27 = tpu.memref_squeeze %dma_start3A_26 : memref<1x128xi32, #tpu.memory_space<vmem>> -> memref<128xi32, #tpu.memory_space<vmem>>
          %dma_start3A_28 = arith.constant 0 : i32
          %dma_start3A_29 = arith.constant 0 : i32
          %dma_start3A_30 = tpu.memref_slice %arg7[%dma_start3A_28, %dma_start3A_29] : memref<10240x128xf32, #tpu.memory_space<vmem_shared>> -> memref<10240x128xf32, #tpu.memory_space<vmem_shared>>
          tpu.enqueue_indirect_dma source(%arg10 : memref<128x128xf32, #tpu.memory_space<vmem>>) target(%dma_start3A_30 : memref<10240x128xf32, #tpu.memory_space<vmem_shared>>) offsets(%dma_start3A_27 : memref<128xi32, #tpu.memory_space<vmem>>) semaphore(%run_scoped3A_24 : memref<!tpu.dma_semaphore, #tpu.memory_space<semaphore_mem>>) {add = true}
          %dma_wait3A_31 = arith.constant 0 : i32
          %dma_wait3A_32 = tpu.memref_slice %arg9[%run_scoped3A_23, %dma_wait3A_31] : memref<1x128xi32, #tpu.memory_space<vmem>> -> memref<1x128xi32, #tpu.memory_space<vmem>>
          %dma_wait3A_33 = tpu.memref_squeeze %dma_wait3A_32 : memref<1x128xi32, #tpu.memory_space<vmem>> -> memref<128xi32, #tpu.memory_space<vmem>>
          %dma_wait3A_34 = arith.constant 0 : i32
          %dma_wait3A_35 = arith.constant 0 : i32
          %dma_wait3A_36 = tpu.memref_slice %arg7[%dma_wait3A_34, %dma_wait3A_35] : memref<10240x128xf32, #tpu.memory_space<vmem_shared>> -> memref<10240x128xf32, #tpu.memory_space<vmem_shared>>
          tpu.wait_indirect_dma semaphore(%run_scoped3A_24 : memref<!tpu.dma_semaphore, #tpu.memory_space<semaphore_mem>>) src(%arg10 : memref<128x128xf32, #tpu.memory_space<vmem>>) dst(%dma_wait3A_36 : memref<10240x128xf32, #tpu.memory_space<vmem_shared>>)
          tpu.yield
        }) : () -> ()
      } else {
      }
    }
    %scan3A_7 = arith.constant 79 : i32
    %barrier3A_8 = arith.constant 0 : index
    tpu.barrier barrier_id(%barrier3A_8)
    %mul3A_9 = arith.constant 640 : i32
    %mul3A_10 = arith.muli %arg1, %mul3A_9 : i32
    "tpu.region"() ({
      %run_scoped3A = tpu.sem_alloc : memref<!tpu.dma_semaphore, #tpu.memory_space<semaphore_mem>>
      %dma_start3A = arith.constant 0 : i32
      %dma_start3A_11 = tpu.memref_slice %arg6[%arg0, %mul3A_10, %dma_start3A] : memref<2x10240x128xf32, #tpu.memory_space<hbm>> -> memref<1x640x128xf32, #tpu.memory_space<hbm>>
      %dma_start3A_12 = tpu.memref_squeeze %dma_start3A_11 : memref<1x640x128xf32, #tpu.memory_space<hbm>> -> memref<640x128xf32, #tpu.memory_space<hbm>>
      %dma_start3A_13 = arith.constant 0 : i32
      %dma_start3A_14 = tpu.memref_slice %arg7[%mul3A_10, %dma_start3A_13] : memref<10240x128xf32, #tpu.memory_space<vmem_shared>> -> memref<640x128xf32, #tpu.memory_space<vmem_shared>>
      tpu.enqueue_dma source(%dma_start3A_14 : memref<640x128xf32, #tpu.memory_space<vmem_shared>>) target(%dma_start3A_12 : memref<640x128xf32, #tpu.memory_space<hbm>>) target_semaphore(%run_scoped3A : memref<!tpu.dma_semaphore, #tpu.memory_space<semaphore_mem>>)
      %dma_wait3A = arith.constant 0 : i32
      %dma_wait3A_15 = tpu.memref_slice %arg6[%arg0, %mul3A_10, %dma_wait3A] : memref<2x10240x128xf32, #tpu.memory_space<hbm>> -> memref<1x640x128xf32, #tpu.memory_space<hbm>>
      %dma_wait3A_16 = tpu.memref_squeeze %dma_wait3A_15 : memref<1x640x128xf32, #tpu.memory_space<hbm>> -> memref<640x128xf32, #tpu.memory_space<hbm>>
      %dma_wait3A_17 = arith.constant 0 : i32
      %dma_wait3A_18 = tpu.memref_slice %arg7[%mul3A_10, %dma_wait3A_17] : memref<10240x128xf32, #tpu.memory_space<vmem_shared>> -> memref<640x128xf32, #tpu.memory_space<vmem_shared>>
      tpu.wait_dma2 semaphore(%run_scoped3A : memref<!tpu.dma_semaphore, #tpu.memory_space<semaphore_mem>>) src(%dma_wait3A_18 : memref<640x128xf32, #tpu.memory_space<vmem_shared>>) dst(%dma_wait3A_16 : memref<640x128xf32, #tpu.memory_space<hbm>>)
      tpu.yield
    }) : () -> ()
    return
  }
}

#map = affine_map<(d0, d1) -> (0)>
#map1 = affine_map<(d0, d1) -> (0, 0)>
#map2 = affine_map<(d0, d1) -> (0, 0, 0)>
module attributes {stable_mosaic.version = 14 : i64} {
  func.func @_agg_body(%arg0: i32, %arg1: i32, %arg2: memref<320000xi32, #tpu.memory_space<hbm>>, %arg3: memref<320000xi32, #tpu.memory_space<hbm>>, %arg4: memref<10000x128xf32, #tpu.memory_space<hbm>>, %arg5: memref<640x128xf32, #tpu.memory_space<hbm>>, %arg6: memref<2x10240x128xf32, #tpu.memory_space<hbm>>, %arg7: memref<10240x128xf32, #tpu.memory_space<vmem_shared>>, %arg8: memref<128xi32, #tpu.memory_space<vmem>>, %arg9: memref<1x128xi32, #tpu.memory_space<vmem>>, %arg10: memref<128x128xf32, #tpu.memory_space<vmem>>, %arg11: memref<!tpu.dma_semaphore, #tpu.memory_space<semaphore_mem>>) attributes {dimension_semantics = [#tpu.dimension_semantics<core_parallel>, #tpu.dimension_semantics<subcore_parallel>], iteration_bounds = array<i64: 2, 16>, scalar_prefetch = 0 : i64, scratch_operands = 5 : i64, tpu.core_type = #tpu.core_type<sc_vector_subcore>, window_params = [{transform_indices = #map}, {transform_indices = #map}, {transform_indices = #map1}, {transform_indices = #map1}, {transform_indices = #map2}]} {
    %mul3A = arith.constant 2 : i32
    %mul3A_0 = arith.muli %arg1, %mul3A : i32
    %add3A = arith.addi %mul3A_0, %arg0 : i32
    %mul3A_1 = arith.constant 640 : i32
    %mul3A_2 = arith.muli %arg1, %mul3A_1 : i32
    "tpu.region"() ({
      %run_scoped3A = tpu.sem_alloc : memref<!tpu.dma_semaphore, #tpu.memory_space<semaphore_mem>>
      %dma_start3A = arith.constant 0 : i32
      %dma_start3A_11 = tpu.memref_slice %arg7[%mul3A_2, %dma_start3A] : memref<10240x128xf32, #tpu.memory_space<vmem_shared>> -> memref<640x128xf32, #tpu.memory_space<vmem_shared>>
      tpu.enqueue_dma source(%arg5 : memref<640x128xf32, #tpu.memory_space<hbm>>) target(%dma_start3A_11 : memref<640x128xf32, #tpu.memory_space<vmem_shared>>) target_semaphore(%run_scoped3A : memref<!tpu.dma_semaphore, #tpu.memory_space<semaphore_mem>>)
      %dma_wait3A = arith.constant 0 : i32
      %dma_wait3A_12 = tpu.memref_slice %arg7[%mul3A_2, %dma_wait3A] : memref<10240x128xf32, #tpu.memory_space<vmem_shared>> -> memref<640x128xf32, #tpu.memory_space<vmem_shared>>
      tpu.wait_dma2 semaphore(%run_scoped3A : memref<!tpu.dma_semaphore, #tpu.memory_space<semaphore_mem>>) src(%arg5 : memref<640x128xf32, #tpu.memory_space<hbm>>) dst(%dma_wait3A_12 : memref<640x128xf32, #tpu.memory_space<vmem_shared>>)
      tpu.yield
    }) : () -> ()
    %barrier3A = arith.constant 0 : index
    tpu.barrier barrier_id(%barrier3A)
    %scan3A = arith.constant 0 : i32
    %scan3A_3 = arith.constant 0 : i32
    %scan3A_4 = arith.constant 79 : i32
    %scan3A_5 = arith.addi %scan3A_3, %scan3A_4 : i32
    %scan3A_6 = arith.constant 1 : i32
    scf.for %scan3A_11 = %scan3A_3 to %scan3A_5 step %scan3A_6  : i32 {
      %mul3A_12 = arith.constant 32 : i32
      %mul3A_13 = arith.muli %scan3A_11, %mul3A_12 : i32
      %add3A_14 = arith.addi %mul3A_13, %add3A : i32
      %lt3A = arith.constant 2500 : i32
      %lt3A_15 = arith.cmpi slt, %add3A_14, %lt3A : i32
      %convert_element_type3A = arith.extui %lt3A_15 : i1 to i32
      %cond3A = arith.constant 0 : i32
      %cond3A_16 = arith.cmpi ne, %convert_element_type3A, %cond3A : i32
      scf.if %cond3A_16 {
        %mul3A_17 = arith.constant 128 : i32
        %mul3A_18 = arith.muli %add3A_14, %mul3A_17 : i32
        "tpu.region"() ({
          %run_scoped3A_24 = tpu.sem_alloc : memref<!tpu.dma_semaphore, #tpu.memory_space<semaphore_mem>>
          %dma_start3A_25 = tpu.memref_slice %arg2[%mul3A_18] : memref<320000xi32, #tpu.memory_space<hbm>> -> memref<128xi32, #tpu.memory_space<hbm>>
          %dma_start3A_26 = tpu.memref_slice %arg2[%mul3A_18] : memref<320000xi32, #tpu.memory_space<hbm>> -> memref<128xi32, #tpu.memory_space<hbm>>
          tpu.enqueue_dma source(%dma_start3A_26 : memref<128xi32, #tpu.memory_space<hbm>>) target(%arg8 : memref<128xi32, #tpu.memory_space<vmem>>) target_semaphore(%run_scoped3A_24 : memref<!tpu.dma_semaphore, #tpu.memory_space<semaphore_mem>>)
          %dma_wait3A_27 = tpu.memref_slice %arg2[%mul3A_18] : memref<320000xi32, #tpu.memory_space<hbm>> -> memref<128xi32, #tpu.memory_space<hbm>>
          %dma_wait3A_28 = tpu.memref_slice %arg2[%mul3A_18] : memref<320000xi32, #tpu.memory_space<hbm>> -> memref<128xi32, #tpu.memory_space<hbm>>
          tpu.wait_dma2 semaphore(%run_scoped3A_24 : memref<!tpu.dma_semaphore, #tpu.memory_space<semaphore_mem>>) src(%dma_wait3A_28 : memref<128xi32, #tpu.memory_space<hbm>>) dst(%arg8 : memref<128xi32, #tpu.memory_space<vmem>>)
          tpu.yield
        }) : () -> ()
        %run_scoped3A = arith.constant 0 : i32
        "tpu.region"() ({
          %run_scoped3A_24 = tpu.sem_alloc : memref<!tpu.dma_semaphore, #tpu.memory_space<semaphore_mem>>
          %dma_start3A_25 = arith.constant 0 : i32
          %dma_start3A_26 = tpu.memref_slice %arg9[%run_scoped3A, %dma_start3A_25] : memref<1x128xi32, #tpu.memory_space<vmem>> -> memref<1x128xi32, #tpu.memory_space<vmem>>
          %dma_start3A_27 = tpu.memref_squeeze %dma_start3A_26 : memref<1x128xi32, #tpu.memory_space<vmem>> -> memref<128xi32, #tpu.memory_space<vmem>>
          %dma_start3A_28 = tpu.memref_slice %arg3[%mul3A_18] : memref<320000xi32, #tpu.memory_space<hbm>> -> memref<128xi32, #tpu.memory_space<hbm>>
          %dma_start3A_29 = arith.constant 0 : i32
          %dma_start3A_30 = tpu.memref_slice %arg9[%run_scoped3A, %dma_start3A_29] : memref<1x128xi32, #tpu.memory_space<vmem>> -> memref<1x128xi32, #tpu.memory_space<vmem>>
          %dma_start3A_31 = tpu.memref_squeeze %dma_start3A_30 : memref<1x128xi32, #tpu.memory_space<vmem>> -> memref<128xi32, #tpu.memory_space<vmem>>
          %dma_start3A_32 = tpu.memref_slice %arg3[%mul3A_18] : memref<320000xi32, #tpu.memory_space<hbm>> -> memref<128xi32, #tpu.memory_space<hbm>>
          tpu.enqueue_dma source(%dma_start3A_32 : memref<128xi32, #tpu.memory_space<hbm>>) target(%dma_start3A_31 : memref<128xi32, #tpu.memory_space<vmem>>) target_semaphore(%run_scoped3A_24 : memref<!tpu.dma_semaphore, #tpu.memory_space<semaphore_mem>>)
          %dma_wait3A_33 = arith.constant 0 : i32
          %dma_wait3A_34 = tpu.memref_slice %arg9[%run_scoped3A, %dma_wait3A_33] : memref<1x128xi32, #tpu.memory_space<vmem>> -> memref<1x128xi32, #tpu.memory_space<vmem>>
          %dma_wait3A_35 = tpu.memref_squeeze %dma_wait3A_34 : memref<1x128xi32, #tpu.memory_space<vmem>> -> memref<128xi32, #tpu.memory_space<vmem>>
          %dma_wait3A_36 = tpu.memref_slice %arg3[%mul3A_18] : memref<320000xi32, #tpu.memory_space<hbm>> -> memref<128xi32, #tpu.memory_space<hbm>>
          %dma_wait3A_37 = arith.constant 0 : i32
          %dma_wait3A_38 = tpu.memref_slice %arg9[%run_scoped3A, %dma_wait3A_37] : memref<1x128xi32, #tpu.memory_space<vmem>> -> memref<1x128xi32, #tpu.memory_space<vmem>>
          %dma_wait3A_39 = tpu.memref_squeeze %dma_wait3A_38 : memref<1x128xi32, #tpu.memory_space<vmem>> -> memref<128xi32, #tpu.memory_space<vmem>>
          %dma_wait3A_40 = tpu.memref_slice %arg3[%mul3A_18] : memref<320000xi32, #tpu.memory_space<hbm>> -> memref<128xi32, #tpu.memory_space<hbm>>
          tpu.wait_dma2 semaphore(%run_scoped3A_24 : memref<!tpu.dma_semaphore, #tpu.memory_space<semaphore_mem>>) src(%dma_wait3A_40 : memref<128xi32, #tpu.memory_space<hbm>>) dst(%dma_wait3A_39 : memref<128xi32, #tpu.memory_space<vmem>>)
          tpu.yield
        }) : () -> ()
        %dma_start3A = arith.constant 0 : i32
        %dma_start3A_19 = arith.constant 0 : i32
        %dma_start3A_20 = tpu.memref_slice %arg4[%dma_start3A, %dma_start3A_19] : memref<10000x128xf32, #tpu.memory_space<hbm>> -> memref<10000x128xf32, #tpu.memory_space<hbm>>
        tpu.enqueue_indirect_dma source(%dma_start3A_20 : memref<10000x128xf32, #tpu.memory_space<hbm>>) target(%arg10 : memref<128x128xf32, #tpu.memory_space<vmem>>) offsets(%arg8 : memref<128xi32, #tpu.memory_space<vmem>>) semaphore(%arg11 : memref<!tpu.dma_semaphore, #tpu.memory_space<semaphore_mem>>)
        %dma_wait3A = arith.constant 0 : i32
        %dma_wait3A_21 = arith.constant 0 : i32
        %dma_wait3A_22 = tpu.memref_slice %arg4[%dma_wait3A, %dma_wait3A_21] : memref<10000x128xf32, #tpu.memory_space<hbm>> -> memref<10000x128xf32, #tpu.memory_space<hbm>>
        tpu.wait_indirect_dma semaphore(%arg11 : memref<!tpu.dma_semaphore, #tpu.memory_space<semaphore_mem>>) src(%dma_wait3A_22 : memref<10000x128xf32, #tpu.memory_space<hbm>>) dst(%arg10 : memref<128x128xf32, #tpu.memory_space<vmem>>)
        %run_scoped3A_23 = arith.constant 0 : i32
        "tpu.region"() ({
          %run_scoped3A_24 = tpu.sem_alloc : memref<!tpu.dma_semaphore, #tpu.memory_space<semaphore_mem>>
          %dma_start3A_25 = arith.constant 0 : i32
          %dma_start3A_26 = tpu.memref_slice %arg9[%run_scoped3A_23, %dma_start3A_25] : memref<1x128xi32, #tpu.memory_space<vmem>> -> memref<1x128xi32, #tpu.memory_space<vmem>>
          %dma_start3A_27 = tpu.memref_squeeze %dma_start3A_26 : memref<1x128xi32, #tpu.memory_space<vmem>> -> memref<128xi32, #tpu.memory_space<vmem>>
          %dma_start3A_28 = arith.constant 0 : i32
          %dma_start3A_29 = arith.constant 0 : i32
          %dma_start3A_30 = tpu.memref_slice %arg7[%dma_start3A_28, %dma_start3A_29] : memref<10240x128xf32, #tpu.memory_space<vmem_shared>> -> memref<10240x128xf32, #tpu.memory_space<vmem_shared>>
          tpu.enqueue_indirect_dma source(%arg10 : memref<128x128xf32, #tpu.memory_space<vmem>>) target(%dma_start3A_30 : memref<10240x128xf32, #tpu.memory_space<vmem_shared>>) offsets(%dma_start3A_27 : memref<128xi32, #tpu.memory_space<vmem>>) semaphore(%run_scoped3A_24 : memref<!tpu.dma_semaphore, #tpu.memory_space<semaphore_mem>>) {add = true}
          %dma_wait3A_31 = arith.constant 0 : i32
          %dma_wait3A_32 = tpu.memref_slice %arg9[%run_scoped3A_23, %dma_wait3A_31] : memref<1x128xi32, #tpu.memory_space<vmem>> -> memref<1x128xi32, #tpu.memory_space<vmem>>
          %dma_wait3A_33 = tpu.memref_squeeze %dma_wait3A_32 : memref<1x128xi32, #tpu.memory_space<vmem>> -> memref<128xi32, #tpu.memory_space<vmem>>
          %dma_wait3A_34 = arith.constant 0 : i32
          %dma_wait3A_35 = arith.constant 0 : i32
          %dma_wait3A_36 = tpu.memref_slice %arg7[%dma_wait3A_34, %dma_wait3A_35] : memref<10240x128xf32, #tpu.memory_space<vmem_shared>> -> memref<10240x128xf32, #tpu.memory_space<vmem_shared>>
          tpu.wait_indirect_dma semaphore(%run_scoped3A_24 : memref<!tpu.dma_semaphore, #tpu.memory_space<semaphore_mem>>) src(%arg10 : memref<128x128xf32, #tpu.memory_space<vmem>>) dst(%dma_wait3A_36 : memref<10240x128xf32, #tpu.memory_space<vmem_shared>>)
          tpu.yield
        }) : () -> ()
      } else {
      }
    }
    %scan3A_7 = arith.constant 79 : i32
    %barrier3A_8 = arith.constant 0 : index
    tpu.barrier barrier_id(%barrier3A_8)
    %mul3A_9 = arith.constant 640 : i32
    %mul3A_10 = arith.muli %arg1, %mul3A_9 : i32
    "tpu.region"() ({
      %run_scoped3A = tpu.sem_alloc : memref<!tpu.dma_semaphore, #tpu.memory_space<semaphore_mem>>
      %dma_start3A = arith.constant 0 : i32
      %dma_start3A_11 = tpu.memref_slice %arg6[%arg0, %mul3A_10, %dma_start3A] : memref<2x10240x128xf32, #tpu.memory_space<hbm>> -> memref<1x640x128xf32, #tpu.memory_space<hbm>>
      %dma_start3A_12 = tpu.memref_squeeze %dma_start3A_11 : memref<1x640x128xf32, #tpu.memory_space<hbm>> -> memref<640x128xf32, #tpu.memory_space<hbm>>
      %dma_start3A_13 = arith.constant 0 : i32
      %dma_start3A_14 = tpu.memref_slice %arg7[%mul3A_10, %dma_start3A_13] : memref<10240x128xf32, #tpu.memory_space<vmem_shared>> -> memref<640x128xf32, #tpu.memory_space<vmem_shared>>
      tpu.enqueue_dma source(%dma_start3A_14 : memref<640x128xf32, #tpu.memory_space<vmem_shared>>) target(%dma_start3A_12 : memref<640x128xf32, #tpu.memory_space<hbm>>) target_semaphore(%run_scoped3A : memref<!tpu.dma_semaphore, #tpu.memory_space<semaphore_mem>>)
      %dma_wait3A = arith.constant 0 : i32
      %dma_wait3A_15 = tpu.memref_slice %arg6[%arg0, %mul3A_10, %dma_wait3A] : memref<2x10240x128xf32, #tpu.memory_space<hbm>> -> memref<1x640x128xf32, #tpu.memory_space<hbm>>
      %dma_wait3A_16 = tpu.memref_squeeze %dma_wait3A_15 : memref<1x640x128xf32, #tpu.memory_space<hbm>> -> memref<640x128xf32, #tpu.memory_space<hbm>>
      %dma_wait3A_17 = arith.constant 0 : i32
      %dma_wait3A_18 = tpu.memref_slice %arg7[%mul3A_10, %dma_wait3A_17] : memref<10240x128xf32, #tpu.memory_space<vmem_shared>> -> memref<640x128xf32, #tpu.memory_space<vmem_shared>>
      tpu.wait_dma2 semaphore(%run_scoped3A : memref<!tpu.dma_semaphore, #tpu.memory_space<semaphore_mem>>) src(%dma_wait3A_18 : memref<640x128xf32, #tpu.memory_space<vmem_shared>>) dst(%dma_wait3A_16 : memref<640x128xf32, #tpu.memory_space<hbm>>)
      tpu.yield
    }) : () -> ()
    return
  }
}

module attributes {stable_mosaic.version = 14 : i64} {
  func.func @_tc_pre_body(%arg0: memref<2x1x40960xf32, #tpu.memory_space<vmem>>, %arg1: memref<10000x128xf32, #tpu.memory_space<vmem>>, %arg2: memref<128x128xf32, #tpu.memory_space<vmem>>, %arg3: memref<10000x128xf32, #tpu.memory_space<vmem>>) attributes {dimension_semantics = [], scalar_prefetch = 0 : i64, scratch_operands = 0 : i64, tpu.core_type = #tpu.core_type<tc>} {
    %get3A = arith.constant 0 : index
    %get3A_0 = arith.constant 0 : index
    %get3A_1 = arith.constant 0 : index
    %get3A_2 = vector.load %arg0[%get3A, %get3A_0, %get3A_1] : memref<2x1x40960xf32, #tpu.memory_space<vmem>>, vector<2x1x40960xf32>
    %slice3A = vector.extract_strided_slice %get3A_2 {offsets = [0, 0, 0], sizes = [1, 1, 40960], strides = [1, 1, 1]} : vector<2x1x40960xf32> to vector<1x1x40960xf32>
    %squeeze3A = vector.shape_cast %slice3A : vector<1x1x40960xf32> to vector<40960xf32>
    %slice3A_3 = vector.extract_strided_slice %get3A_2 {offsets = [1, 0, 0], sizes = [1, 1, 40960], strides = [1, 1, 1]} : vector<2x1x40960xf32> to vector<1x1x40960xf32>
    %squeeze3A_4 = vector.shape_cast %slice3A_3 : vector<1x1x40960xf32> to vector<40960xf32>
    %add3A = arith.addf %squeeze3A, %squeeze3A_4 : vector<40960xf32>
    %slice3A_5 = vector.extract_strided_slice %add3A {offsets = [0], sizes = [10000], strides = [1]} : vector<40960xf32> to vector<10000xf32>
    %gt3A = arith.constant 0.000000e+00 : f32
    %gt3A_6 = vector.broadcast %gt3A : f32 to vector<10000xf32>
    %gt3A_7 = arith.cmpf ogt, %slice3A_5, %gt3A_6 : vector<10000xf32>
    %max3A = arith.constant 1.000000e+00 : f32
    %max3A_8 = vector.broadcast %max3A : f32 to vector<10000xf32>
    %max3A_9 = arith.maximumf %slice3A_5, %max3A_8 : vector<10000xf32>
    %rsqrt3A = math.rsqrt %max3A_9 : vector<10000xf32>
    %jit3A = arith.constant 0.000000e+00 : f32
    %broadcast_in_dim3A = vector.broadcast %jit3A : f32 to vector<10000xf32>
    %select_n3A = arith.select %gt3A_7, %rsqrt3A, %broadcast_in_dim3A : vector<10000xi1>, vector<10000xf32>
    %get3A_10 = arith.constant 0 : index
    %get3A_11 = arith.constant 0 : index
    %get3A_12 = vector.load %arg1[%get3A_10, %get3A_11] : memref<10000x128xf32, #tpu.memory_space<vmem>>, vector<10000x128xf32>
    %broadcast_in_dim3A_13 = vector.shape_cast %select_n3A : vector<10000xf32> to vector<10000x1xf32>
    %mul3A = vector.broadcast %broadcast_in_dim3A_13 : vector<10000x1xf32> to vector<10000x128xf32>
    %mul3A_14 = arith.mulf %get3A_12, %mul3A : vector<10000x128xf32>
    %get3A_15 = arith.constant 0 : index
    %get3A_16 = arith.constant 0 : index
    %get3A_17 = vector.load %arg2[%get3A_15, %get3A_16] : memref<128x128xf32, #tpu.memory_space<vmem>>, vector<128x128xf32>
    %dot_general3A = arith.constant dense<0.000000e+00> : vector<10000x128xf32>
    %dot_general3A_18 = tpu.matmul %mul3A_14, %get3A_17, %dot_general3A {dimension_numbers = #tpu.dot_dimension_numbers<[1], [0], [0], [1], [0, 0, 1, 1], [], []>, transpose_lhs_hint = false} : vector<10000x128xf32>, vector<128x128xf32>, vector<10000x128xf32> -> vector<10000x128xf32>
    %swap3A = arith.constant 0 : index
    %swap3A_19 = arith.constant 0 : index
    %swap3A_20 = vector.load %arg3[%swap3A, %swap3A_19] : memref<10000x128xf32, #tpu.memory_space<vmem>>, vector<10000x128xf32>
    tpu.vector_store %arg3[%swap3A, %swap3A_19], %dot_general3A_18 {strides = array<i32>} : memref<10000x128xf32, #tpu.memory_space<vmem>>, vector<10000x128xf32>,
    return
  }
}

module attributes {stable_mosaic.version = 14 : i64} {
  func.func @_tc_mid_body(%arg0: memref<2x1x40960xf32, #tpu.memory_space<vmem>>, %arg1: memref<2x10240x128xf32, #tpu.memory_space<vmem>>, %arg2: memref<128xf32, #tpu.memory_space<vmem>>, %arg3: memref<128x128xf32, #tpu.memory_space<vmem>>, %arg4: memref<10000x128xf32, #tpu.memory_space<vmem>>) attributes {dimension_semantics = [], scalar_prefetch = 0 : i64, scratch_operands = 0 : i64, tpu.core_type = #tpu.core_type<tc>} {
    %get3A = arith.constant 0 : index
    %get3A_0 = arith.constant 0 : index
    %get3A_1 = arith.constant 0 : index
    %get3A_2 = vector.load %arg0[%get3A, %get3A_0, %get3A_1] : memref<2x1x40960xf32, #tpu.memory_space<vmem>>, vector<2x1x40960xf32>
    %slice3A = vector.extract_strided_slice %get3A_2 {offsets = [0, 0, 0], sizes = [1, 1, 40960], strides = [1, 1, 1]} : vector<2x1x40960xf32> to vector<1x1x40960xf32>
    %squeeze3A = vector.shape_cast %slice3A : vector<1x1x40960xf32> to vector<40960xf32>
    %slice3A_3 = vector.extract_strided_slice %get3A_2 {offsets = [1, 0, 0], sizes = [1, 1, 40960], strides = [1, 1, 1]} : vector<2x1x40960xf32> to vector<1x1x40960xf32>
    %squeeze3A_4 = vector.shape_cast %slice3A_3 : vector<1x1x40960xf32> to vector<40960xf32>
    %add3A = arith.addf %squeeze3A, %squeeze3A_4 : vector<40960xf32>
    %slice3A_5 = vector.extract_strided_slice %add3A {offsets = [10240], sizes = [10000], strides = [1]} : vector<40960xf32> to vector<10000xf32>
    %gt3A = arith.constant 0.000000e+00 : f32
    %gt3A_6 = vector.broadcast %gt3A : f32 to vector<10000xf32>
    %gt3A_7 = arith.cmpf ogt, %slice3A_5, %gt3A_6 : vector<10000xf32>
    %max3A = arith.constant 1.000000e+00 : f32
    %max3A_8 = vector.broadcast %max3A : f32 to vector<10000xf32>
    %max3A_9 = arith.maximumf %slice3A_5, %max3A_8 : vector<10000xf32>
    %rsqrt3A = math.rsqrt %max3A_9 : vector<10000xf32>
    %jit3A = arith.constant 0.000000e+00 : f32
    %broadcast_in_dim3A = vector.broadcast %jit3A : f32 to vector<10000xf32>
    %select_n3A = arith.select %gt3A_7, %rsqrt3A, %broadcast_in_dim3A : vector<10000xi1>, vector<10000xf32>
    %slice3A_10 = vector.extract_strided_slice %add3A {offsets = [20480], sizes = [10000], strides = [1]} : vector<40960xf32> to vector<10000xf32>
    %gt3A_11 = arith.constant 0.000000e+00 : f32
    %gt3A_12 = vector.broadcast %gt3A_11 : f32 to vector<10000xf32>
    %gt3A_13 = arith.cmpf ogt, %slice3A_10, %gt3A_12 : vector<10000xf32>
    %max3A_14 = arith.constant 1.000000e+00 : f32
    %max3A_15 = vector.broadcast %max3A_14 : f32 to vector<10000xf32>
    %max3A_16 = arith.maximumf %slice3A_10, %max3A_15 : vector<10000xf32>
    %rsqrt3A_17 = math.rsqrt %max3A_16 : vector<10000xf32>
    %jit3A_18 = arith.constant 0.000000e+00 : f32
    %broadcast_in_dim3A_19 = vector.broadcast %jit3A_18 : f32 to vector<10000xf32>
    %select_n3A_20 = arith.select %gt3A_13, %rsqrt3A_17, %broadcast_in_dim3A_19 : vector<10000xi1>, vector<10000xf32>
    %get3A_21 = arith.constant 0 : index
    %get3A_22 = arith.constant 0 : index
    %get3A_23 = arith.constant 0 : index
    %get3A_24 = vector.load %arg1[%get3A_21, %get3A_22, %get3A_23] : memref<2x10240x128xf32, #tpu.memory_space<vmem>>, vector<2x10240x128xf32>
    %slice3A_25 = vector.extract_strided_slice %get3A_24 {offsets = [0, 0, 0], sizes = [1, 10000, 128], strides = [1, 1, 1]} : vector<2x10240x128xf32> to vector<1x10000x128xf32>
    %squeeze3A_26 = vector.shape_cast %slice3A_25 : vector<1x10000x128xf32> to vector<10000x128xf32>
    %slice3A_27 = vector.extract_strided_slice %get3A_24 {offsets = [1, 0, 0], sizes = [1, 10000, 128], strides = [1, 1, 1]} : vector<2x10240x128xf32> to vector<1x10000x128xf32>
    %squeeze3A_28 = vector.shape_cast %slice3A_27 : vector<1x10000x128xf32> to vector<10000x128xf32>
    %add3A_29 = arith.addf %squeeze3A_26, %squeeze3A_28 : vector<10000x128xf32>
    %broadcast_in_dim3A_30 = vector.shape_cast %select_n3A : vector<10000xf32> to vector<10000x1xf32>
    %mul3A = vector.broadcast %broadcast_in_dim3A_30 : vector<10000x1xf32> to vector<10000x128xf32>
    %mul3A_31 = arith.mulf %add3A_29, %mul3A : vector<10000x128xf32>
    %get3A_32 = arith.constant 0 : index
    %get3A_33 = vector.load %arg2[%get3A_32] : memref<128xf32, #tpu.memory_space<vmem>>, vector<128xf32>
    %broadcast_in_dim3A_34 = vector.shape_cast %get3A_33 : vector<128xf32> to vector<1x128xf32>
    %add3A_35 = vector.broadcast %broadcast_in_dim3A_34 : vector<1x128xf32> to vector<10000x128xf32>
    %add3A_36 = arith.addf %mul3A_31, %add3A_35 : vector<10000x128xf32>
    %max3A_37 = arith.constant 0.000000e+00 : f32
    %max3A_38 = vector.broadcast %max3A_37 : f32 to vector<10000x128xf32>
    %max3A_39 = arith.maximumf %add3A_36, %max3A_38 : vector<10000x128xf32>
    %broadcast_in_dim3A_40 = vector.shape_cast %select_n3A_20 : vector<10000xf32> to vector<10000x1xf32>
    %mul3A_41 = vector.broadcast %broadcast_in_dim3A_40 : vector<10000x1xf32> to vector<10000x128xf32>
    %mul3A_42 = arith.mulf %max3A_39, %mul3A_41 : vector<10000x128xf32>
    %get3A_43 = arith.constant 0 : index
    %get3A_44 = arith.constant 0 : index
    %get3A_45 = vector.load %arg3[%get3A_43, %get3A_44] : memref<128x128xf32, #tpu.memory_space<vmem>>, vector<128x128xf32>
    %dot_general3A = arith.constant dense<0.000000e+00> : vector<10000x128xf32>
    %dot_general3A_46 = tpu.matmul %mul3A_42, %get3A_45, %dot_general3A {dimension_numbers = #tpu.dot_dimension_numbers<[1], [0], [0], [1], [0, 0, 1, 1], [], []>, transpose_lhs_hint = false} : vector<10000x128xf32>, vector<128x128xf32>, vector<10000x128xf32> -> vector<10000x128xf32>
    %swap3A = arith.constant 0 : index
    %swap3A_47 = arith.constant 0 : index
    %swap3A_48 = vector.load %arg4[%swap3A, %swap3A_47] : memref<10000x128xf32, #tpu.memory_space<vmem>>, vector<10000x128xf32>
    tpu.vector_store %arg4[%swap3A, %swap3A_47], %dot_general3A_46 {strides = array<i32>} : memref<10000x128xf32, #tpu.memory_space<vmem>>, vector<10000x128xf32>,
    return
  }
}

module attributes {stable_mosaic.version = 14 : i64} {
  func.func @_tc_post_body(%arg0: memref<2x1x40960xf32, #tpu.memory_space<vmem>>, %arg1: memref<2x10240x128xf32, #tpu.memory_space<vmem>>, %arg2: memref<128xf32, #tpu.memory_space<vmem>>, %arg3: memref<10000x128xf32, #tpu.memory_space<vmem>>) attributes {dimension_semantics = [], scalar_prefetch = 0 : i64, scratch_operands = 0 : i64, tpu.core_type = #tpu.core_type<tc>} {
    %get3A = arith.constant 0 : index
    %get3A_0 = arith.constant 0 : index
    %get3A_1 = arith.constant 0 : index
    %get3A_2 = vector.load %arg0[%get3A, %get3A_0, %get3A_1] : memref<2x1x40960xf32, #tpu.memory_space<vmem>>, vector<2x1x40960xf32>
    %slice3A = vector.extract_strided_slice %get3A_2 {offsets = [0, 0, 0], sizes = [1, 1, 40960], strides = [1, 1, 1]} : vector<2x1x40960xf32> to vector<1x1x40960xf32>
    %squeeze3A = vector.shape_cast %slice3A : vector<1x1x40960xf32> to vector<40960xf32>
    %slice3A_3 = vector.extract_strided_slice %get3A_2 {offsets = [1, 0, 0], sizes = [1, 1, 40960], strides = [1, 1, 1]} : vector<2x1x40960xf32> to vector<1x1x40960xf32>
    %squeeze3A_4 = vector.shape_cast %slice3A_3 : vector<1x1x40960xf32> to vector<40960xf32>
    %add3A = arith.addf %squeeze3A, %squeeze3A_4 : vector<40960xf32>
    %slice3A_5 = vector.extract_strided_slice %add3A {offsets = [30720], sizes = [10000], strides = [1]} : vector<40960xf32> to vector<10000xf32>
    %gt3A = arith.constant 0.000000e+00 : f32
    %gt3A_6 = vector.broadcast %gt3A : f32 to vector<10000xf32>
    %gt3A_7 = arith.cmpf ogt, %slice3A_5, %gt3A_6 : vector<10000xf32>
    %max3A = arith.constant 1.000000e+00 : f32
    %max3A_8 = vector.broadcast %max3A : f32 to vector<10000xf32>
    %max3A_9 = arith.maximumf %slice3A_5, %max3A_8 : vector<10000xf32>
    %rsqrt3A = math.rsqrt %max3A_9 : vector<10000xf32>
    %jit3A = arith.constant 0.000000e+00 : f32
    %broadcast_in_dim3A = vector.broadcast %jit3A : f32 to vector<10000xf32>
    %select_n3A = arith.select %gt3A_7, %rsqrt3A, %broadcast_in_dim3A : vector<10000xi1>, vector<10000xf32>
    %get3A_10 = arith.constant 0 : index
    %get3A_11 = arith.constant 0 : index
    %get3A_12 = arith.constant 0 : index
    %get3A_13 = vector.load %arg1[%get3A_10, %get3A_11, %get3A_12] : memref<2x10240x128xf32, #tpu.memory_space<vmem>>, vector<2x10240x128xf32>
    %slice3A_14 = vector.extract_strided_slice %get3A_13 {offsets = [0, 0, 0], sizes = [1, 10000, 128], strides = [1, 1, 1]} : vector<2x10240x128xf32> to vector<1x10000x128xf32>
    %squeeze3A_15 = vector.shape_cast %slice3A_14 : vector<1x10000x128xf32> to vector<10000x128xf32>
    %slice3A_16 = vector.extract_strided_slice %get3A_13 {offsets = [1, 0, 0], sizes = [1, 10000, 128], strides = [1, 1, 1]} : vector<2x10240x128xf32> to vector<1x10000x128xf32>
    %squeeze3A_17 = vector.shape_cast %slice3A_16 : vector<1x10000x128xf32> to vector<10000x128xf32>
    %add3A_18 = arith.addf %squeeze3A_15, %squeeze3A_17 : vector<10000x128xf32>
    %broadcast_in_dim3A_19 = vector.shape_cast %select_n3A : vector<10000xf32> to vector<10000x1xf32>
    %mul3A = vector.broadcast %broadcast_in_dim3A_19 : vector<10000x1xf32> to vector<10000x128xf32>
    %mul3A_20 = arith.mulf %add3A_18, %mul3A : vector<10000x128xf32>
    %get3A_21 = arith.constant 0 : index
    %get3A_22 = vector.load %arg2[%get3A_21] : memref<128xf32, #tpu.memory_space<vmem>>, vector<128xf32>
    %broadcast_in_dim3A_23 = vector.shape_cast %get3A_22 : vector<128xf32> to vector<1x128xf32>
    %add3A_24 = vector.broadcast %broadcast_in_dim3A_23 : vector<1x128xf32> to vector<10000x128xf32>
    %add3A_25 = arith.addf %mul3A_20, %add3A_24 : vector<10000x128xf32>
    %max3A_26 = arith.constant 0.000000e+00 : f32
    %max3A_27 = vector.broadcast %max3A_26 : f32 to vector<10000x128xf32>
    %max3A_28 = arith.maximumf %add3A_25, %max3A_27 : vector<10000x128xf32>
    %swap3A = arith.constant 0 : index
    %swap3A_29 = arith.constant 0 : index
    %swap3A_30 = vector.load %arg3[%swap3A, %swap3A_29] : memref<10000x128xf32, #tpu.memory_space<vmem>>, vector<10000x128xf32>
    tpu.vector_store %arg3[%swap3A, %swap3A_29], %max3A_28 {strides = array<i32>} : memref<10000x128xf32, #tpu.memory_space<vmem>>, vector<10000x128xf32>,
    return
  }
}

</mosaic_0001>

<sc_bundles>
// kernel: kernel.12.cloned.1.call-start
scs
__scs_entry_jumppad:
0x0: {  	(pc) =	sbr.rel $0x88, $3  }
0x1: {  	(tag) =	ssettag $0x0;
	lr =	simm.s32 $0x1  }
0x2: {  	[smem:$0x3F98] =	sst lr;
	_ =	strace $0xD0000000  }
0x3: {  	_ = 	snop  }
0x4: {  	_ = 	snop  }
0x5: {  	_ = 	snop  }
0x6: {  	_ = 	snop  }
0x7: {  	_ = 	snop  }
__scs_overlays_trampoline_lowered:
0x8: {  	[smem:$0x3FA7] =	sst s0  }
0x9: {  	[smem:$0x3FA8] =	sst s1  }
0xa: {  	[smem:$0x3FA9] =	sst s2  }
0xb: {  	[smem:$0x3FAA] =	sst s3  }
0xc: {  	[smem:$0x3FAB] =	sst s4  }
0xd: {  	[smem:$0x3FAC] =	sst s5  }
0xe: {  	[smem:$0x3FAD] =	sst s6  }
0xf: {  	[smem:$0x3FAE] =	sst s7  }
0x10: {  	[smem:$0x3FAF] =	sst s8  }
0x11: {  	[smem:$0x3FB0] =	sst s9;
	s0 =	simm.s32 @!p0 $0x0  }
0x12: {  	s1 =	sld [smem:$0x3F96];
	s0 =	simm.s32 @p0 $0x1  }
0x13: {  	[smem:$0x3FB1] =	sst s0;
	s0 =	simm.s32 @!p1 $0x0  }
0x14: {  	s2 =	sld [smem:$0x3F95];
	s0 =	simm.s32 @p1 $0x1  }
0x15: {  	[smem:$0x3FB2] =	sst s0;
	s0 =	simm.s32 @!p2 $0x0  }
0x16: {  	s3 =	sld [smem:$0x3FDB];
	s0 =	simm.s32 @p2 $0x1  }
0x17: {  	s4 =	simm.s32 $0x1BF5;
	[smem:$0x3FB4] =	sst s0  }
0x18: {  	s0 =	sld [smem:$0x3F97];
	_ =	swait.ge [sflag:s4], $0x0  }
0x19: {  	s7 =	sld [smem:$0x3F98]  }
0x1a: {  	s8 =	sadd.s32 $0xFFFFE003, lr  }
0x1b: {  	s9 =	sadd.s32 $0xFFFFFEF7, lr;
	s5 =	simm.s32 $0xFFFFFFFF;
	p2 =	slt.u32 s8, $0xFFFFF086  }
0x1c: {  	p1 =	slt.u32 s9, $0xF7A;
	s5 =	simm.s32 @!p2 $0x0  }
0x1d: {  	s5 =	simm.s32 @p1 $0x1;
	p0 =	seq.s32 s7, s2  }
0x1e: {  	s7 =	smul.u32 @!p0 $0xF7A, s2;
	p2 =	seq.s32 @!p0 s5, $0x0  }
0x1f: {  	s9 =	smul.u32 $0xF7A, s1;
	s8 =	simm.s32 @!p0 $0x1BF5;
	p2 =	por !p2, p0  }
0x20: {  	[sflag:s8] =	ssyncset.s32 @!p0 $0xFFFFF086;
	s6 =	sadd.s32 @!p0 s3, s7;
	s7 =	simm.s32 @!p0 $0x108  }
0x21: {  	s3 =	sadd.s32 s3, s9;
	s6 =	sadd.s32 @!p0 $0x88, s6;
	s7 =	simm.s32 @p2 $0x1082  }
0x22: {  	[simem:s7], [sflag:s8] =	dma.local @!p0 [hbm:s6], $0xF7A  }
0x23: {  	s9 =	sor.u32 $0xD0000000, s2;
	s6 =	simm.s32 $0x108;
	_ =	swait.ge @!p0 [sflag:s8], $0x0  }
0x24: {  	s3 =	sadd.s32 $0x88, s3;
	s6 =	simm.s32 @!p1 $0x1082;
	[sflag:s4] =	ssyncset.s32 $0xFFFFF086  }
0x25: {  	[simem:s6], [sflag:s4] =	dma.local [hbm:s3], $0xF7A  }
0x26: {  	[smem:$0x3F98] =	sst s1;
	(tag) =	ssettag s2;
	_ =	strace s9  }
0x27: {  	s1 =	sld [smem:$0x3FA8]  }
0x28: {  	s2 =	sld [smem:$0x3FA9]  }
0x29: {  	s4 =	sld [smem:$0x3FAB]  }
0x2a: {  	p0 =	seq.s32 s5, $0x0;
	s5 =	sld [smem:$0x3FAC]  }
0x2b: {  	s6 =	sld [smem:$0x3FAD]  }
0x2c: {  	s7 =	sld [smem:$0x3FAE]  }
0x2d: {  	s3 =	simm.s32 $0x108;
	s8 =	sld [smem:$0x3FAF]  }
0x2e: {  	s3 =	simm.s32 @!p0 $0x1082;
	s9 =	sld [smem:$0x3FB0]  }
0x2f: {  	lr =	sadd.s32 s0, s3;
	s0 =	sld [smem:$0x3FA7]  }
0x30: {  	s3 =	sld [smem:$0x3FAA]  }
0x31: {  	[smem:$0x3FB3] =	sst s10  }
0x32: {  	s10 =	sld [smem:$0x3FB1];
	_ =	sdelay $0x3  }
0x33: {  	p0 =	seq.s32 s10, $0x1;
	s10 =	sld [smem:$0x3FB3];
	_ =	sdelay $0x3  }
0x34: {  	[smem:$0x3FB3] =	sst s10  }
0x35: {  	s10 =	sld [smem:$0x3FB2];
	_ =	sdelay $0x3  }
0x36: {  	p1 =	seq.s32 s10, $0x1;
	s10 =	sld [smem:$0x3FB3];
	_ =	sdelay $0x3  }
0x37: {  	[smem:$0x3FB3] =	sst s10  }
0x38: {  	s10 =	sld [smem:$0x3FB4]  }
0x39: {  	_ = 	snop;
	(pc) =	sbr.ind lr, $3  }
0x3a: {  	_ = 	snop  }
0x3b: {  	_ = 	snop  }
0x3c: {  	p2 =	seq.s32 s10, $0x1;
	s10 =	sld [smem:$0x3FB3]  }
0x3d: {  	_ =	shalt  }
0x3e: {  	_ =	shalt  }
0x3f: {  	_ =	shalt  }
0x40: {  	_ =	shalt  }
0x41: {  	_ =	shalt  }
0x42: {  	_ =	shalt  }
0x43: {  	_ =	shalt  }
0x44: {  	_ =	shalt  }
0x45: {  	_ =	shalt  }
0x46: {  	_ =	shalt  }
0x47: {  	_ =	shalt  }
0x48: {  	_ =	shalt  }
0x49: {  	_ =	shalt  }
0x4a: {  	_ =	shalt  }
0x4b: {  	_ =	shalt  }
0x4c: {  	_ =	shalt  }
0x4d: {  	_ =	shalt  }
0x4e: {  	_ =	shalt  }
0x4f: {  	_ =	shalt  }
0x50: {  	_ =	shalt  }
0x51: {  	_ =	shalt  }
0x52: {  	_ =	shalt  }
0x53: {  	_ =	shalt  }
0x54: {  	_ =	shalt  }
0x55: {  	_ =	shalt  }
0x56: {  	_ =	shalt  }
0x57: {  	_ =	shalt  }
0x58: {  	_ =	shalt  }
0x59: {  	_ =	shalt  }
0x5a: {  	_ =	shalt  }
0x5b: {  	_ =	shalt  }
0x5c: {  	_ =	shalt  }
0x5d: {  	_ =	shalt  }
0x5e: {  	_ =	shalt  }
0x5f: {  	_ =	shalt  }
0x60: {  	_ =	shalt  }
0x61: {  	_ =	shalt  }
0x62: {  	_ =	shalt  }
0x63: {  	_ =	shalt  }
0x64: {  	_ =	shalt  }
0x65: {  	_ =	shalt  }
0x66: {  	_ =	shalt  }
0x67: {  	_ =	shalt  }
0x68: {  	_ =	shalt  }
0x69: {  	_ =	shalt  }
0x6a: {  	_ =	shalt  }
0x6b: {  	_ =	shalt  }
0x6c: {  	_ =	shalt  }
0x6d: {  	_ =	shalt  }
0x6e: {  	_ =	shalt  }
0x6f: {  	_ =	shalt  }
0x70: {  	_ =	shalt  }
0x71: {  	_ =	shalt  }
0x72: {  	_ =	shalt  }
0x73: {  	_ =	shalt  }
0x74: {  	_ =	shalt  }
0x75: {  	_ =	shalt  }
0x76: {  	_ =	shalt  }
0x77: {  	_ =	shalt  }
0x78: {  	_ =	shalt  }
0x79: {  	_ =	shalt  }
0x7a: {  	_ =	shalt  }
0x7b: {  	_ =	shalt  }
0x7c: {  	_ =	shalt  }
0x7d: {  	_ =	shalt  }
0x7e: {  	_ =	shalt  }
0x7f: {  	_ =	shalt  }
0x80: {  	_ =	shalt  }
0x81: {  	_ =	shalt  }
0x82: {  	_ =	shalt  }
0x83: {  	_ =	shalt  }
0x84: {  	_ =	shalt  }
0x85: {  	_ =	shalt  }
0x86: {  	_ =	shalt  }
0x87: {  	_ =	shalt  }
.Lfunc_end0:
.L_simem_size_0:
called_computation.1_lowered:
.L_overlay_start_0:
0x88: {  	s2 =	sld [smem:$0x3FD9]  }
0x89: {  	s3 =	sld [smem:$0x3FFE];
	_ =	sdelay $0x1  }
0x8a: {  	s1 =	srdreg.scid  }
0x8b: {  	s0 =	sand.u32 $0x1, s1  }
0x8c: {  	s14 =	sshll.u32 s0, $0xA;
	s2 =	sadd.s32 s3, s2  }
0x8d: {  	s2 =	sadd.s32 s2, s14  }
0x8e: {  	[smem:$0x3FBF] =	sst s2  }
0x8f: {  	_ = 	snop  }
0x90: {  	s2 =	sld [smem:$0x3FD0];
	_ =	sdelay $0x2  }
0x91: {  	s15 =	simm.s32 $0xA;
	s4 =	simm.s32 $0x10  }
0x92: {  	[smem:s4], [sflag:s15] =	dma.local [hbm:s2], $0x1  }
0x93: {  	_ =	swait.eq [sflag:s15], $0x1  }
0x94: {  	[sflag:s15] =	ssyncset.done $0x0  }
0x95: {  	[sflag:s15] =	ssyncadd.s32 $0xFFFFFFFF  }
0x96: {  	s16 =	sld [smem:$0x11];
	(tm) =	ssettm $0x1  }
0x97: {  	s17 =	sld [smem:$0x3FFB];
	_ =	sdelay $0x3  }
0x98: {  	_ =	strace s17  }
0x99: {  	s3 =	sld [smem:$0x3FFC];
	_ =	sdelay $0x3  }
0x9a: {  	_ =	strace s3  }
0x9b: {  	s3 =	sld [smem:$0x3FFD];
	_ =	sdelay $0x3  }
0x9c: {  	_ =	strace s3  }
0x9d: {  	_ =	strace $0x8FFFFFFF  }
0x9e: {  	s18 =	sld [smem:$0x3FDB];
	_ =	sdelay $0x1  }
0x9f: {  	s19 =	simm.s32 $_scs_section_size  }
0xa0: {  	s5 =	simm.s32 $_size__tile_overlayer_lowered;
	s6 =	simm.s32 $_tile_overlayer_lowered  }
0xa1: {  	s22 =	simm.s32 $0x1BFF;
	s21 =	sshll.u32 s6, $0x1;
	s3 =	sadd.s32 s19, s18  }
0xa2: {  	s7 =	simm.s32 $0x0;
	s20 =	sshll.u32 s5, $0x1;
	s5 =	sadd.s32 s21, s3  }
0xa3: {  	[timem:s7], [sflag:s22] =	dma.local [hbm:s5], s20  }
0xa4: {  	_ =	swait.ge [sflag:s22], s20  }
0xa5: {  	s4 =	ssub.s32 $0x0, s20;
	[sflag:s22] =	ssyncset.done $0x0  }
0xa6: {  	[sflag:s22] =	ssyncadd.s32 s4;
	_ =	sdelay $0x1  }
0xa7: {  	s23 =	simm.s32 $0x1B8B  }
0xa8: {  	_ =	swait.ge [sflag:s23], $0x1  }
0xa9: {  	[sflag:s23] =	ssyncset.done $0x0  }
0xaa: {  	s25 =	simm.s32 $0x1B8E;
	s24 =	sld [smem:$0x3FFE];
	[sflag:s23] =	ssyncadd.s32 $0xFFFFFFFF  }
0xab: {  	s26 =	simm.s32 $execute0_lowered;
	[smem:$0x3FD2] =	sst s25  }
0xac: {  	s5 =	sshll.u32 s26, $0x1;
	_ =	strace $0x80000049;
	[dreg:$0x1] =	wrdreg $0xFFFFFFFF  }
0xad: {  	s28 =	simm.s32 $_size_execute0_lowered;
	s3 =	sadd.s32 s3, s5;
	[dreg:$0x0] =	wrdreg $0x0  }
0xae: {  	s5 =	sshll.u32 s28, $0x1;
	[dreg:$0x2] =	wrdreg s3  }
0xaf: {  	[dreg:$0x3] =	wrdreg s5  }
0xb0: {  	[dreg:$0x4] =	wrdreg $0xC0  }
0xb1: {  	_ =	task [dreg:s7], $0x5FFFF  }
0xb2: {  	[dreg:$0x1] =	wrdreg $0xFFFFFFFF  }
0xb3: {  	[dreg:$0x0] =	wrdreg $0x60  }
0xb4: {  	[dreg:$0x2] =	wrdreg s24  }
0xb5: {  	[dreg:$0x3] =	wrdreg s16  }
0xb6: {  	[dreg:$0x4] =	wrdreg $0x0  }
0xb7: {  	[dreg:$0x5] =	wrdreg $0x9  }
0xb8: {  	_ =	task.clear_ibuf [dreg:s7], $0x6FFFF;
	_ =	strace $0x90000049  }
0xb9: {  	s29 =	simm.s32 $0x9;
	_ =	strace $0x8000004B  }
0xba: {  	_ =	swait.ge [sflag:s29], $0x1  }
0xbb: {  	[sflag:s29] =	ssyncadd.s32 $0xFFFFFFFF  }
0xbc: {  	_ =	strace $0x9000004B  }
0xbd: {  	_ =	sfence  }
0xbe: {  	s30 =	sld [smem:$0x0];
	_ =	sdelay $0x2  }
0xbf: {  	s31 =	sshll.u32 s1, $0xD;
	s1 =	sshrl.u32 s1, $0x2  }
0xc0: {  	s3 =	sand.u32 $0x4000, s31;
	s1 =	sadd.s32 s1, s30  }
0xc1: {  	s0 =	sor.u32 s3, s0;
	s1 =	sshll.u32 s1, $0x11  }
0xc2: {  	s0 =	sor.u32 s1, s0  }
0xc3: {  	s0 =	sadd.s32 $0x8F2B, s0  }
0xc4: {  	[sflag:s0] =	ssyncadd.remote.s32 $0x1  }
0xc5: {  	_ =	sfence.sel $0xFFFF  }
0xc6: {  	[dreg:$0x0] =	wrdreg $0xFFFFFFFF;
	(pc) =	sbr.abs _section_cstart, $3  }
0xc7: {  	[dreg:$0x1] =	wrdreg $0xFFFFFFFF  }
0xc8: {  	_ =	task.clear_ibuf [dreg:s7], $0x2FFFF;
	_ =	strace $0x9FFFFFFF  }
0xc9: {  	(tm) =	ssettm $0x7FFFFFFF  }
tec
execute0_lowered:
.L_overlay_start_1:
0x0: {  	(tag) =	ssettag $0x1  }
0x1: {  	s6 =	rddreg [dreg:$0x0]  }
0x2: {  	s1 =	rddreg [dreg:$0x1]  }
0x3: {  	s2 =	rddreg [dreg:$0x2]  }
0x4: {  	s3 =	srdreg.scid;
	s0 =	rddreg [dreg:$0x3]  }
0x5: {  	s4 =	simm.s32 $0x0;
	s7 =	sand.u32 $0x1, s3;
	s3 =	stileid.u32  }
0x6: {  	[smem:$0x7FF] =	sst s4;
	s8 =	smul.u32 $0x140000, s7;
	s5 =	sshll.u32 s3, $0x5  }
0x7: {  	s9 =	smul.u32 $0x14000, s3;
	_ =	strace $0x8000004A;
	s28 =	ssub.s32 $0x2, s7  }
0x8: {  	s12 =	smul.u32 $0x50000, s3;
	s30 =	sshll.u32 s3, $0x6;
	s13 =	sshll.u32 s7, $0x4  }
0x9: {  	s10 =	sadd.s32 s5, s6;
	s5 =	sadd.s32 $0x29200, s6;
	s11 =	sshrl.u32 s28, $0x1  }
0xa: {  	s7 =	sor.u32 $0x1C02, s30;
	s8 =	sadd.s32 s9, s8;
	s9 =	ssub.s32 s28, s11  }
0xb: {  	s29 =	sshrl.u32 s12, $0x2;
	s31 =	sadd.s32 s13, s10;
	s13 =	simm.s32 $0x2  }
0xc: {  	s8 =	sshrl.u32 s8, $0x3;
	s14 =	sadd.s32 s29, s2;
	s9 =	smax.u32 s9, $0x1  }
0xd: {  	s10 =	sadd.s32 $0x15600, s31;
	s11 =	sadd.s32 $0x1F400, s31;
	s8 =	sadd.s32 s8, s6  }
0xe: {  	s6 =	sshll.u32 s3, $0x1;
	s12 =	sshrl.u32 s14, $0x3;
	s8 =	sadd.s32 $0x50400, s8  }
.LBB2_1:
0xf: {  	[spmem:s12], [sflag:s7] =	dma.local [hbm:s1], $0x2800  }
0x10: {  	_ =	swait.ge [sflag:s13], $0x2800  }
0x11: {  	p0 =	sgt.u32 s6, $0x9C3;
	[sflag:s13] =	ssyncset.done $0x0  }
0x12: {  	s14 =	sadd.s32 @!p0 $0x0, s11;
	s15 =	simm.s32 @!p0 $0x0;
	[sflag:s13] =	ssyncadd.s32 $0xFFFFD800  }
0x13: {  	s16 =	simm.s32 @!p0 $0x14000;
	s17 =	simm.s32 @!p0 $0x3;
	[bflag:$0x0] =	sbarrier.arrive $0xFFFF  }
0x14: {  	[tilespmem:s16], [sflag:$0x3] =	stream.linear.gather @!p0 [hbm4b:s14+s15], $0x80, $0x38;
	[tilespmem:$0x18100] =	vst v63  }
0x15: {  	_ =	swait.ge @!p0 [sflag:s17], $0x80  }
0x16: {  	[sflag:s17] =	ssyncset.done @!p0 $0x0  }
0x17: {  	s18 =	simm.s32 @!p0 $0x14080;
	s14 =	sadd.s32 @!p0 $0x0, s10;
	[sflag:s17] =	ssyncadd.s32 @!p0 $0xFFFFFF80  }
0x18: {  	[tilespmem:s18], [sflag:$0x3] =	stream.linear.gather @!p0 [hbm4b:s14+s15], $0x80, $0x38;
	[tilespmem:$0x18100] =	vst v63  }
0x19: {  	_ =	swait.ge @!p0 [sflag:s17], $0x80;
	p0 =	por p0, p0  }
0x1a: {  	[sflag:s17] =	ssyncset.done @!p0 $0x0;
	s14 =	simm.s32 @!p0 $0x80  }
0x1b: {  	s15 =	simm.s32 @!p0 $0x14100;
	[sflag:s17] =	ssyncadd.s32 @!p0 $0xFFFFFF80;
	s17 =	simm.s32 @!p0 $0x1  }
0x1c: {  	[tilespmem:s15], [sflag:$0x1] =	stream.indirect.gather @!p0 [hbm4b:s5+s14], $0x80, s16, s14, $0xb8;
	[tilespmem:$0x18100] =	vst v63  }
0x1d: {  	_ =	swait.ge @!p0 [sflag:s17], $0x4000  }
0x1e: {  	[sflag:s17] =	ssyncset.done @!p0 $0x0  }
0x1f: {  	[sflag:s17] =	ssyncadd.s32 @!p0 $0xFFFFC000  }
0x20: {  	[spmem:s2] =	stream.indirect.scatter.add.f32 @!p0 [tilespmem:s15], [sflag:$0x2], $0x80, s18, s14, $0xb8;
	[tilespmem:$0x18100] =	vst v63  }
0x21: {  	s16 =	simm.s32 $0x400;
	s17 =	simm.s32 @!p0 $0x2;
	s15 =	sadd.s32 $0x20, s6  }
0x22: {  	s14 =	simm.s32 $0x200;
	p1 =	sgt.u32 s15, $0x9C3;
	_ =	swait.ge @!p0 [sflag:s17], $0x4000  }
.LBB2_2:
0x23: {  	s18 =	sadd.s32 @!p1 s14, s11;
	s19 =	simm.s32 @!p1 $0x0;
	[sflag:s17] =	ssyncset.done @!p0 $0x0  }
0x24: {  	s20 =	simm.s32 @!p1 $0x14000;
	s21 =	simm.s32 @!p1 $0x3;
	[sflag:s17] =	ssyncadd.s32 @!p0 $0xFFFFC000  }
0x25: {  	[tilespmem:s20], [sflag:$0x3] =	stream.linear.gather @!p1 [hbm4b:s18+s19], $0x80, $0x38;
	[tilespmem:$0x18100] =	vst v63  }
0x26: {  	s17 =	smov.u32 s16;
	s16 =	sadd.s32 $0x200, s16;
	_ =	swait.ge @!p1 [sflag:s21], $0x80  }
0x27: {  	s22 =	simm.s32 @!p1 $0x14080;
	s18 =	sadd.s32 @!p1 s14, s10;
	[sflag:s21] =	ssyncset.done @!p1 $0x0  }
0x28: {  	p2 =	sne.s32 s16, $0x9E00;
	s14 =	smov.u32 s17;
	[sflag:s21] =	ssyncadd.s32 @!p1 $0xFFFFFF80  }
0x29: {  	[tilespmem:s22], [sflag:$0x3] =	stream.linear.gather @!p1 [hbm4b:s18+s19], $0x80, $0x38;
	[tilespmem:$0x18100] =	vst v63  }
0x2a: {  	p0 =	por p1, p1;
	_ =	swait.ge @!p1 [sflag:s21], $0x80  }
0x2b: {  	s18 =	simm.s32 @!p0 $0x80;
	s19 =	simm.s32 @!p0 $0x14100;
	[sflag:s21] =	ssyncset.done @!p0 $0x0  }
0x2c: {  	s17 =	simm.s32 @!p0 $0x1;
	[sflag:s21] =	ssyncadd.s32 @!p0 $0xFFFFFF80  }
0x2d: {  	[tilespmem:s19], [sflag:$0x1] =	stream.indirect.gather @!p0 [hbm4b:s5+s18], $0x80, s20, s18, $0xb8;
	[tilespmem:$0x18100] =	vst v63  }
.Ltmp0:
0x2e: {  	_ =	swait.ge @!p0 [sflag:s17], $0x4000;
	(pc) =	sbr.rel @p2 .LBB2_2-.Ltmp0, $4  }
0x2f: {  	[sflag:s17] =	ssyncset.done @!p0 $0x0  }
0x30: {  	s15 =	sadd.s32 $0x20, s15;
	[sflag:s17] =	ssyncadd.s32 @!p0 $0xFFFFC000;
	s17 =	simm.s32 @!p0 $0x2  }
0x31: {  	[spmem:s2] =	stream.indirect.scatter.add.f32 @!p0 [tilespmem:s19], [sflag:$0x2], $0x80, s22, s18, $0xb8;
	[tilespmem:$0x18100] =	vst v63  }
0x32: {  	p1 =	sgt.u32 s15, $0x9C3;
	_ =	swait.ge @!p0 [sflag:s17], $0x4000  }
0x33: {  	s15 =	sadd.s32 @!p1 s14, s11;
	s16 =	simm.s32 @!p1 $0x0;
	[sflag:s17] =	ssyncset.done @!p0 $0x0  }
0x34: {  	s18 =	simm.s32 @!p1 $0x14000;
	s19 =	simm.s32 @!p1 $0x3;
	[sflag:s17] =	ssyncadd.s32 @!p0 $0xFFFFC000  }
0x35: {  	[tilespmem:s18], [sflag:$0x3] =	stream.linear.gather @!p1 [hbm4b:s15+s16], $0x80, $0x38;
	[tilespmem:$0x18100] =	vst v63  }
0x36: {  	_ =	swait.ge @!p1 [sflag:s19], $0x80  }
0x37: {  	[sflag:s19] =	ssyncset.done @!p1 $0x0  }
0x38: {  	s14 =	sadd.s32 @!p1 s14, s10;
	s15 =	simm.s32 @!p1 $0x14080;
	[sflag:s19] =	ssyncadd.s32 @!p1 $0xFFFFFF80  }
0x39: {  	[tilespmem:s15], [sflag:$0x3] =	stream.linear.gather @!p1 [hbm4b:s14+s16], $0x80, $0x38;
	[tilespmem:$0x18100] =	vst v63  }
0x3a: {  	p0 =	por p1, p1;
	_ =	swait.ge @!p1 [sflag:s19], $0x80  }
0x3b: {  	s17 =	simm.s32 @!p0 $0x1;
	[sflag:s19] =	ssyncset.done @!p0 $0x0  }
0x3c: {  	s14 =	simm.s32 @!p0 $0x80;
	s16 =	simm.s32 @!p0 $0x14100;
	[sflag:s19] =	ssyncadd.s32 @!p0 $0xFFFFFF80  }
0x3d: {  	[tilespmem:s16], [sflag:$0x1] =	stream.indirect.gather @!p0 [hbm4b:s5+s14], $0x80, s18, s14, $0xb8;
	[tilespmem:$0x18100] =	vst v63  }
0x3e: {  	_ =	swait.ge @!p0 [sflag:s17], $0x4000  }
0x3f: {  	[sflag:s17] =	ssyncset.done @!p0 $0x0  }
0x40: {  	[sflag:s17] =	ssyncadd.s32 @!p0 $0xFFFFC000;
	s17 =	simm.s32 @!p0 $0x2  }
0x41: {  	[spmem:s2] =	stream.indirect.scatter.add.f32 @!p0 [tilespmem:s16], [sflag:$0x2], $0x80, s15, s14, $0xb8;
	[tilespmem:$0x18100] =	vst v63  }
0x42: {  	_ =	swait.ge @!p0 [sflag:s17], $0x4000  }
0x43: {  	s4 =	sadd.s32 $0x1, s4;
	[sflag:s17] =	ssyncset.done @!p0 $0x0  }
0x44: {  	[sflag:s17] =	ssyncadd.s32 @!p0 $0xFFFFC000;
	p0 =	sne.s32 s4, s9  }
.Ltmp1:
0x45: {  	[bflag:$0x0] =	sbarrier.arrive $0xFFFF;
	(pc) =	sbr.rel @p0 .LBB2_1-.Ltmp1, $4  }
0x46: {  	[hbm:s8], [sflag:s7] =	dma.local [spmem:s12], $0x2800  }
0x47: {  	_ =	swait.ge [sflag:s13], $0x2800  }
0x48: {  	[sflag:s13] =	ssyncset.done $0x0  }
0x49: {  	[sflag:s13] =	ssyncadd.s32 $0xFFFFD800  }
0x4a: {  	_ =	sfence.sel $0x180000  }
0x4b: {  	[bflag:$0x0] =	sbarrier.arrive $0xFFFF  }
0x4c: {  	p0 =	sne.s32 s3, $0x0;
	_ =	strace $0x9000004A  }
0x4d: {  	s0 =	sadd.s32 @!p0 $0x100000, s0;
	[bflag:$0x2] =	sbarrier.arrive $0xFFFF  }
0x4e: {  	[sflag:s0] =	ssyncadd.tile.s32 @!p0 $0x1;
	_ =	shalt  }
.Lfunc_end2:
_tile_overlayer_lowered:
.L_overlay_start_2:
0x4f: {  	(tag) =	ssettag $0x2  }
0x50: {  	s0 =	rddreg [dreg:$0x0];
	s2 =	stileid.u32  }
0x51: {  	s1 =	rddreg [dreg:$0x1];
	p0 =	sne.s32 s2, $0x0  }
0x52: {  	s3 =	rddreg [dreg:$0x2];
	[bflag:$0x3] =	sbarrier.arrive $0xFFFF;
	s2 =	simm.s32 @!p0 $0x1C02  }
0x53: {  	[timem:s3], [sflag:s2] =	dma.local @!p0 [hbm:s0], s1  }
0x54: {  	s0 =	simm.s32 @!p0 $0x2  }
0x55: {  	_ =	swait.ge @!p0 [sflag:s0], s1  }
0x56: {  	s1 =	ssub.s32 @!p0 $0x0, s1;
	[sflag:s0] =	ssyncset.done @!p0 $0x0  }
0x57: {  	[sflag:s0] =	ssyncadd.s32 @!p0 s1  }
0x58: {  	[bflag:$0x3] =	sbarrier.arrive $0xFFFF  }
0x59: {  	_ =	shalt  }

// kernel: kernel.15.cloned.1.call-start
scs
__scs_entry_jumppad:
0x0: {  	(pc) =	sbr.rel $0x88, $3  }
0x1: {  	(tag) =	ssettag $0x0;
	lr =	simm.s32 $0x1  }
0x2: {  	[smem:$0x3F98] =	sst lr;
	_ =	strace $0xD0000000  }
0x3: {  	_ = 	snop  }
0x4: {  	_ = 	snop  }
0x5: {  	_ = 	snop  }
0x6: {  	_ = 	snop  }
0x7: {  	_ = 	snop  }
__scs_overlays_trampoline_lowered:
0x8: {  	[smem:$0x3FA7] =	sst s0  }
0x9: {  	[smem:$0x3FA8] =	sst s1  }
0xa: {  	[smem:$0x3FA9] =	sst s2  }
0xb: {  	[smem:$0x3FAA] =	sst s3  }
0xc: {  	[smem:$0x3FAB] =	sst s4  }
0xd: {  	[smem:$0x3FAC] =	sst s5  }
0xe: {  	[smem:$0x3FAD] =	sst s6  }
0xf: {  	[smem:$0x3FAE] =	sst s7  }
0x10: {  	[smem:$0x3FAF] =	sst s8  }
0x11: {  	[smem:$0x3FB0] =	sst s9;
	s0 =	simm.s32 @!p0 $0x0  }
0x12: {  	s1 =	sld [smem:$0x3F96];
	s0 =	simm.s32 @p0 $0x1  }
0x13: {  	[smem:$0x3FB1] =	sst s0;
	s0 =	simm.s32 @!p1 $0x0  }
0x14: {  	s2 =	sld [smem:$0x3F95];
	s0 =	simm.s32 @p1 $0x1  }
0x15: {  	[smem:$0x3FB2] =	sst s0;
	s0 =	simm.s32 @!p2 $0x0  }
0x16: {  	s3 =	sld [smem:$0x3FDB];
	s0 =	simm.s32 @p2 $0x1  }
0x17: {  	s4 =	simm.s32 $0x1BF5;
	[smem:$0x3FB4] =	sst s0  }
0x18: {  	s0 =	sld [smem:$0x3F97];
	_ =	swait.ge [sflag:s4], $0x0  }
0x19: {  	s7 =	sld [smem:$0x3F98]  }
0x1a: {  	s8 =	sadd.s32 $0xFFFFE003, lr  }
0x1b: {  	s9 =	sadd.s32 $0xFFFFFEF7, lr;
	s5 =	simm.s32 $0xFFFFFFFF;
	p2 =	slt.u32 s8, $0xFFFFF086  }
0x1c: {  	p1 =	slt.u32 s9, $0xF7A;
	s5 =	simm.s32 @!p2 $0x0  }
0x1d: {  	s5 =	simm.s32 @p1 $0x1;
	p0 =	seq.s32 s7, s2  }
0x1e: {  	s7 =	smul.u32 @!p0 $0xF7A, s2;
	p2 =	seq.s32 @!p0 s5, $0x0  }
0x1f: {  	s9 =	smul.u32 $0xF7A, s1;
	s8 =	simm.s32 @!p0 $0x1BF5;
	p2 =	por !p2, p0  }
0x20: {  	[sflag:s8] =	ssyncset.s32 @!p0 $0xFFFFF086;
	s6 =	sadd.s32 @!p0 s3, s7;
	s7 =	simm.s32 @!p0 $0x108  }
0x21: {  	s3 =	sadd.s32 s3, s9;
	s6 =	sadd.s32 @!p0 $0x88, s6;
	s7 =	simm.s32 @p2 $0x1082  }
0x22: {  	[simem:s7], [sflag:s8] =	dma.local @!p0 [hbm:s6], $0xF7A  }
0x23: {  	s9 =	sor.u32 $0xD0000000, s2;
	s6 =	simm.s32 $0x108;
	_ =	swait.ge @!p0 [sflag:s8], $0x0  }
0x24: {  	s3 =	sadd.s32 $0x88, s3;
	s6 =	simm.s32 @!p1 $0x1082;
	[sflag:s4] =	ssyncset.s32 $0xFFFFF086  }
0x25: {  	[simem:s6], [sflag:s4] =	dma.local [hbm:s3], $0xF7A  }
0x26: {  	[smem:$0x3F98] =	sst s1;
	(tag) =	ssettag s2;
	_ =	strace s9  }
0x27: {  	s1 =	sld [smem:$0x3FA8]  }
0x28: {  	s2 =	sld [smem:$0x3FA9]  }
0x29: {  	s4 =	sld [smem:$0x3FAB]  }
0x2a: {  	p0 =	seq.s32 s5, $0x0;
	s5 =	sld [smem:$0x3FAC]  }
0x2b: {  	s6 =	sld [smem:$0x3FAD]  }
0x2c: {  	s7 =	sld [smem:$0x3FAE]  }
0x2d: {  	s3 =	simm.s32 $0x108;
	s8 =	sld [smem:$0x3FAF]  }
0x2e: {  	s3 =	simm.s32 @!p0 $0x1082;
	s9 =	sld [smem:$0x3FB0]  }
0x2f: {  	lr =	sadd.s32 s0, s3;
	s0 =	sld [smem:$0x3FA7]  }
0x30: {  	s3 =	sld [smem:$0x3FAA]  }
0x31: {  	[smem:$0x3FB3] =	sst s10  }
0x32: {  	s10 =	sld [smem:$0x3FB1];
	_ =	sdelay $0x3  }
0x33: {  	p0 =	seq.s32 s10, $0x1;
	s10 =	sld [smem:$0x3FB3];
	_ =	sdelay $0x3  }
0x34: {  	[smem:$0x3FB3] =	sst s10  }
0x35: {  	s10 =	sld [smem:$0x3FB2];
	_ =	sdelay $0x3  }
0x36: {  	p1 =	seq.s32 s10, $0x1;
	s10 =	sld [smem:$0x3FB3];
	_ =	sdelay $0x3  }
0x37: {  	[smem:$0x3FB3] =	sst s10  }
0x38: {  	s10 =	sld [smem:$0x3FB4]  }
0x39: {  	_ = 	snop;
	(pc) =	sbr.ind lr, $3  }
0x3a: {  	_ = 	snop  }
0x3b: {  	_ = 	snop  }
0x3c: {  	p2 =	seq.s32 s10, $0x1;
	s10 =	sld [smem:$0x3FB3]  }
0x3d: {  	_ =	shalt  }
0x3e: {  	_ =	shalt  }
0x3f: {  	_ =	shalt  }
0x40: {  	_ =	shalt  }
0x41: {  	_ =	shalt  }
0x42: {  	_ =	shalt  }
0x43: {  	_ =	shalt  }
0x44: {  	_ =	shalt  }
0x45: {  	_ =	shalt  }
0x46: {  	_ =	shalt  }
0x47: {  	_ =	shalt  }
0x48: {  	_ =	shalt  }
0x49: {  	_ =	shalt  }
0x4a: {  	_ =	shalt  }
0x4b: {  	_ =	shalt  }
0x4c: {  	_ =	shalt  }
0x4d: {  	_ =	shalt  }
0x4e: {  	_ =	shalt  }
0x4f: {  	_ =	shalt  }
0x50: {  	_ =	shalt  }
0x51: {  	_ =	shalt  }
0x52: {  	_ =	shalt  }
0x53: {  	_ =	shalt  }
0x54: {  	_ =	shalt  }
0x55: {  	_ =	shalt  }
0x56: {  	_ =	shalt  }
0x57: {  	_ =	shalt  }
0x58: {  	_ =	shalt  }
0x59: {  	_ =	shalt  }
0x5a: {  	_ =	shalt  }
0x5b: {  	_ =	shalt  }
0x5c: {  	_ =	shalt  }
0x5d: {  	_ =	shalt  }
0x5e: {  	_ =	shalt  }
0x5f: {  	_ =	shalt  }
0x60: {  	_ =	shalt  }
0x61: {  	_ =	shalt  }
0x62: {  	_ =	shalt  }
0x63: {  	_ =	shalt  }
0x64: {  	_ =	shalt  }
0x65: {  	_ =	shalt  }
0x66: {  	_ =	shalt  }
0x67: {  	_ =	shalt  }
0x68: {  	_ =	shalt  }
0x69: {  	_ =	shalt  }
0x6a: {  	_ =	shalt  }
0x6b: {  	_ =	shalt  }
0x6c: {  	_ =	shalt  }
0x6d: {  	_ =	shalt  }
0x6e: {  	_ =	shalt  }
0x6f: {  	_ =	shalt  }
0x70: {  	_ =	shalt  }
0x71: {  	_ =	shalt  }
0x72: {  	_ =	shalt  }
0x73: {  	_ =	shalt  }
0x74: {  	_ =	shalt  }
0x75: {  	_ =	shalt  }
0x76: {  	_ =	shalt  }
0x77: {  	_ =	shalt  }
0x78: {  	_ =	shalt  }
0x79: {  	_ =	shalt  }
0x7a: {  	_ =	shalt  }
0x7b: {  	_ =	shalt  }
0x7c: {  	_ =	shalt  }
0x7d: {  	_ =	shalt  }
0x7e: {  	_ =	shalt  }
0x7f: {  	_ =	shalt  }
0x80: {  	_ =	shalt  }
0x81: {  	_ =	shalt  }
0x82: {  	_ =	shalt  }
0x83: {  	_ =	shalt  }
0x84: {  	_ =	shalt  }
0x85: {  	_ =	shalt  }
0x86: {  	_ =	shalt  }
0x87: {  	_ =	shalt  }
.Lfunc_end0:
.L_simem_size_0:
called_computation.2_lowered:
.L_overlay_start_0:
0x88: {  	s2 =	sld [smem:$0x3FD9]  }
0x89: {  	s3 =	sld [smem:$0x3FFE];
	_ =	sdelay $0x1  }
0x8a: {  	s1 =	srdreg.scid  }
0x8b: {  	s0 =	sand.u32 $0x1, s1  }
0x8c: {  	s14 =	sshll.u32 s0, $0xA;
	s2 =	sadd.s32 s3, s2  }
0x8d: {  	s2 =	sadd.s32 s2, s14  }
0x8e: {  	[smem:$0x3FBF] =	sst s2  }
0x8f: {  	_ = 	snop  }
0x90: {  	s2 =	sld [smem:$0x3FD0];
	_ =	sdelay $0x2  }
0x91: {  	s15 =	simm.s32 $0xA;
	s4 =	simm.s32 $0x10  }
0x92: {  	[smem:s4], [sflag:s15] =	dma.local [hbm:s2], $0x1  }
0x93: {  	_ =	swait.eq [sflag:s15], $0x1  }
0x94: {  	[sflag:s15] =	ssyncset.done $0x0  }
0x95: {  	[sflag:s15] =	ssyncadd.s32 $0xFFFFFFFF  }
0x96: {  	s16 =	sld [smem:$0x11];
	(tm) =	ssettm $0x1  }
0x97: {  	s17 =	sld [smem:$0x3FFB];
	_ =	sdelay $0x3  }
0x98: {  	_ =	strace s17  }
0x99: {  	s3 =	sld [smem:$0x3FFC];
	_ =	sdelay $0x3  }
0x9a: {  	_ =	strace s3  }
0x9b: {  	s3 =	sld [smem:$0x3FFD];
	_ =	sdelay $0x3  }
0x9c: {  	_ =	strace s3  }
0x9d: {  	_ =	strace $0x8FFFFFFF  }
0x9e: {  	s18 =	sld [smem:$0x3FDB];
	_ =	sdelay $0x1  }
0x9f: {  	s19 =	simm.s32 $_scs_section_size  }
0xa0: {  	s5 =	simm.s32 $_size__tile_overlayer_lowered;
	s6 =	simm.s32 $_tile_overlayer_lowered  }
0xa1: {  	s22 =	simm.s32 $0x1BFF;
	s21 =	sshll.u32 s6, $0x1;
	s3 =	sadd.s32 s19, s18  }
0xa2: {  	s7 =	simm.s32 $0x0;
	s20 =	sshll.u32 s5, $0x1;
	s5 =	sadd.s32 s21, s3  }
0xa3: {  	[timem:s7], [sflag:s22] =	dma.local [hbm:s5], s20  }
0xa4: {  	_ =	swait.ge [sflag:s22], s20  }
0xa5: {  	s4 =	ssub.s32 $0x0, s20;
	[sflag:s22] =	ssyncset.done $0x0  }
0xa6: {  	[sflag:s22] =	ssyncadd.s32 s4;
	_ =	sdelay $0x1  }
0xa7: {  	s23 =	simm.s32 $0x1B8B  }
0xa8: {  	_ =	swait.ge [sflag:s23], $0x1  }
0xa9: {  	[sflag:s23] =	ssyncset.done $0x0  }
0xaa: {  	s25 =	simm.s32 $0x1B8E;
	s24 =	sld [smem:$0x3FFE];
	[sflag:s23] =	ssyncadd.s32 $0xFFFFFFFF  }
0xab: {  	s26 =	simm.s32 $execute0_lowered;
	[smem:$0x3FD2] =	sst s25  }
0xac: {  	s5 =	sshll.u32 s26, $0x1;
	_ =	strace $0x8000004C;
	[dreg:$0x1] =	wrdreg $0xFFFFFFFF  }
0xad: {  	s28 =	simm.s32 $_size_execute0_lowered;
	s3 =	sadd.s32 s3, s5;
	[dreg:$0x0] =	wrdreg $0x0  }
0xae: {  	s5 =	sshll.u32 s28, $0x1;
	[dreg:$0x2] =	wrdreg s3  }
0xaf: {  	[dreg:$0x3] =	wrdreg s5  }
0xb0: {  	[dreg:$0x4] =	wrdreg $0xC0  }
0xb1: {  	_ =	task [dreg:s7], $0x5FFFF  }
0xb2: {  	[dreg:$0x1] =	wrdreg $0xFFFFFFFF  }
0xb3: {  	[dreg:$0x0] =	wrdreg $0x60  }
0xb4: {  	[dreg:$0x2] =	wrdreg s24  }
0xb5: {  	[dreg:$0x3] =	wrdreg s16  }
0xb6: {  	[dreg:$0x4] =	wrdreg $0x0  }
0xb7: {  	[dreg:$0x5] =	wrdreg $0x9  }
0xb8: {  	_ =	task.clear_ibuf [dreg:s7], $0x6FFFF;
	_ =	strace $0x9000004C  }
0xb9: {  	s29 =	simm.s32 $0x9;
	_ =	strace $0x8000004E  }
0xba: {  	_ =	swait.ge [sflag:s29], $0x1  }
0xbb: {  	[sflag:s29] =	ssyncadd.s32 $0xFFFFFFFF  }
0xbc: {  	_ =	strace $0x9000004E  }
0xbd: {  	_ =	sfence  }
0xbe: {  	s30 =	sld [smem:$0x0];
	_ =	sdelay $0x2  }
0xbf: {  	s31 =	sshll.u32 s1, $0xD;
	s1 =	sshrl.u32 s1, $0x2  }
0xc0: {  	s3 =	sand.u32 $0x4000, s31;
	s1 =	sadd.s32 s1, s30  }
0xc1: {  	s0 =	sor.u32 s3, s0;
	s1 =	sshll.u32 s1, $0x11  }
0xc2: {  	s0 =	sor.u32 s1, s0  }
0xc3: {  	s0 =	sadd.s32 $0x8F2B, s0  }
0xc4: {  	[sflag:s0] =	ssyncadd.remote.s32 $0x1  }
0xc5: {  	_ =	sfence.sel $0xFFFF  }
0xc6: {  	[dreg:$0x0] =	wrdreg $0xFFFFFFFF;
	(pc) =	sbr.abs _section_cstart, $3  }
0xc7: {  	[dreg:$0x1] =	wrdreg $0xFFFFFFFF  }
0xc8: {  	_ =	task.clear_ibuf [dreg:s7], $0x2FFFF;
	_ =	strace $0x9FFFFFFF  }
0xc9: {  	(tm) =	ssettm $0x7FFFFFFF  }
tec
execute0_lowered:
.L_overlay_start_1:
0x0: {  	(tag) =	ssettag $0x1  }
0x1: {  	s6 =	rddreg [dreg:$0x0]  }
0x2: {  	s1 =	rddreg [dreg:$0x1]  }
0x3: {  	s2 =	rddreg [dreg:$0x2]  }
0x4: {  	s3 =	srdreg.scid;
	s0 =	rddreg [dreg:$0x3]  }
0x5: {  	s4 =	simm.s32 $0x0;
	s7 =	sand.u32 $0x1, s3;
	s3 =	stileid.u32  }
0x6: {  	[smem:$0x7FF] =	sst s4;
	s8 =	smul.u32 $0x140000, s7;
	s5 =	sshll.u32 s3, $0x5  }
0x7: {  	s9 =	smul.u32 $0x14000, s3;
	_ =	strace $0x8000004D;
	s28 =	ssub.s32 $0x2, s7  }
0x8: {  	s12 =	smul.u32 $0x50000, s3;
	s30 =	sshll.u32 s3, $0x6;
	s13 =	sshll.u32 s7, $0x4  }
0x9: {  	s10 =	sadd.s32 s5, s6;
	s5 =	sadd.s32 $0x15600, s6;
	s11 =	sshrl.u32 s28, $0x1  }
0xa: {  	s7 =	sor.u32 $0x1C02, s30;
	s8 =	sadd.s32 s9, s8;
	s9 =	ssub.s32 s28, s11  }
0xb: {  	s29 =	sshrl.u32 s12, $0x2;
	s31 =	sadd.s32 s13, s10;
	s13 =	simm.s32 $0x2  }
0xc: {  	s8 =	sshrl.u32 s8, $0x3;
	s14 =	sadd.s32 s29, s2;
	s9 =	smax.u32 s9, $0x1  }
0xd: {  	s10 =	sadd.s32 $0xB800, s31;
	s11 =	sadd.s32 $0x1A00, s31;
	s8 =	sadd.s32 s8, s6  }
0xe: {  	s6 =	sshll.u32 s3, $0x1;
	s12 =	sshrl.u32 s14, $0x3;
	s8 =	sadd.s32 $0x3C800, s8  }
.LBB2_1:
0xf: {  	[spmem:s12], [sflag:s7] =	dma.local [hbm:s1], $0x2800  }
0x10: {  	_ =	swait.ge [sflag:s13], $0x2800  }
0x11: {  	p0 =	sgt.u32 s6, $0x9C3;
	[sflag:s13] =	ssyncset.done $0x0  }
0x12: {  	s14 =	sadd.s32 @!p0 $0x0, s11;
	s15 =	simm.s32 @!p0 $0x0;
	[sflag:s13] =	ssyncadd.s32 $0xFFFFD800  }
0x13: {  	s16 =	simm.s32 @!p0 $0x14000;
	s17 =	simm.s32 @!p0 $0x3;
	[bflag:$0x0] =	sbarrier.arrive $0xFFFF  }
0x14: {  	[tilespmem:s16], [sflag:$0x3] =	stream.linear.gather @!p0 [hbm4b:s14+s15], $0x80, $0x38;
	[tilespmem:$0x18100] =	vst v63  }
0x15: {  	_ =	swait.ge @!p0 [sflag:s17], $0x80  }
0x16: {  	[sflag:s17] =	ssyncset.done @!p0 $0x0  }
0x17: {  	s18 =	simm.s32 @!p0 $0x14080;
	s14 =	sadd.s32 @!p0 $0x0, s10;
	[sflag:s17] =	ssyncadd.s32 @!p0 $0xFFFFFF80  }
0x18: {  	[tilespmem:s18], [sflag:$0x3] =	stream.linear.gather @!p0 [hbm4b:s14+s15], $0x80, $0x38;
	[tilespmem:$0x18100] =	vst v63  }
0x19: {  	_ =	swait.ge @!p0 [sflag:s17], $0x80;
	p0 =	por p0, p0  }
0x1a: {  	[sflag:s17] =	ssyncset.done @!p0 $0x0;
	s14 =	simm.s32 @!p0 $0x80  }
0x1b: {  	s15 =	simm.s32 @!p0 $0x14100;
	[sflag:s17] =	ssyncadd.s32 @!p0 $0xFFFFFF80;
	s17 =	simm.s32 @!p0 $0x1  }
0x1c: {  	[tilespmem:s15], [sflag:$0x1] =	stream.indirect.gather @!p0 [hbm4b:s5+s14], $0x80, s16, s14, $0xb8;
	[tilespmem:$0x18100] =	vst v63  }
0x1d: {  	_ =	swait.ge @!p0 [sflag:s17], $0x4000  }
0x1e: {  	[sflag:s17] =	ssyncset.done @!p0 $0x0  }
0x1f: {  	[sflag:s17] =	ssyncadd.s32 @!p0 $0xFFFFC000  }
0x20: {  	[spmem:s2] =	stream.indirect.scatter.add.f32 @!p0 [tilespmem:s15], [sflag:$0x2], $0x80, s18, s14, $0xb8;
	[tilespmem:$0x18100] =	vst v63  }
0x21: {  	s16 =	simm.s32 $0x400;
	s17 =	simm.s32 @!p0 $0x2;
	s15 =	sadd.s32 $0x20, s6  }
0x22: {  	s14 =	simm.s32 $0x200;
	p1 =	sgt.u32 s15, $0x9C3;
	_ =	swait.ge @!p0 [sflag:s17], $0x4000  }
.LBB2_2:
0x23: {  	s18 =	sadd.s32 @!p1 s14, s11;
	s19 =	simm.s32 @!p1 $0x0;
	[sflag:s17] =	ssyncset.done @!p0 $0x0  }
0x24: {  	s20 =	simm.s32 @!p1 $0x14000;
	s21 =	simm.s32 @!p1 $0x3;
	[sflag:s17] =	ssyncadd.s32 @!p0 $0xFFFFC000  }
0x25: {  	[tilespmem:s20], [sflag:$0x3] =	stream.linear.gather @!p1 [hbm4b:s18+s19], $0x80, $0x38;
	[tilespmem:$0x18100] =	vst v63  }
0x26: {  	s17 =	smov.u32 s16;
	s16 =	sadd.s32 $0x200, s16;
	_ =	swait.ge @!p1 [sflag:s21], $0x80  }
0x27: {  	s22 =	simm.s32 @!p1 $0x14080;
	s18 =	sadd.s32 @!p1 s14, s10;
	[sflag:s21] =	ssyncset.done @!p1 $0x0  }
0x28: {  	p2 =	sne.s32 s16, $0x9E00;
	s14 =	smov.u32 s17;
	[sflag:s21] =	ssyncadd.s32 @!p1 $0xFFFFFF80  }
0x29: {  	[tilespmem:s22], [sflag:$0x3] =	stream.linear.gather @!p1 [hbm4b:s18+s19], $0x80, $0x38;
	[tilespmem:$0x18100] =	vst v63  }
0x2a: {  	p0 =	por p1, p1;
	_ =	swait.ge @!p1 [sflag:s21], $0x80  }
0x2b: {  	s18 =	simm.s32 @!p0 $0x80;
	s19 =	simm.s32 @!p0 $0x14100;
	[sflag:s21] =	ssyncset.done @!p0 $0x0  }
0x2c: {  	s17 =	simm.s32 @!p0 $0x1;
	[sflag:s21] =	ssyncadd.s32 @!p0 $0xFFFFFF80  }
0x2d: {  	[tilespmem:s19], [sflag:$0x1] =	stream.indirect.gather @!p0 [hbm4b:s5+s18], $0x80, s20, s18, $0xb8;
	[tilespmem:$0x18100] =	vst v63  }
.Ltmp0:
0x2e: {  	_ =	swait.ge @!p0 [sflag:s17], $0x4000;
	(pc) =	sbr.rel @p2 .LBB2_2-.Ltmp0, $4  }
0x2f: {  	[sflag:s17] =	ssyncset.done @!p0 $0x0  }
0x30: {  	s15 =	sadd.s32 $0x20, s15;
	[sflag:s17] =	ssyncadd.s32 @!p0 $0xFFFFC000;
	s17 =	simm.s32 @!p0 $0x2  }
0x31: {  	[spmem:s2] =	stream.indirect.scatter.add.f32 @!p0 [tilespmem:s19], [sflag:$0x2], $0x80, s22, s18, $0xb8;
	[tilespmem:$0x18100] =	vst v63  }
0x32: {  	p1 =	sgt.u32 s15, $0x9C3;
	_ =	swait.ge @!p0 [sflag:s17], $0x4000  }
0x33: {  	s15 =	sadd.s32 @!p1 s14, s11;
	s16 =	simm.s32 @!p1 $0x0;
	[sflag:s17] =	ssyncset.done @!p0 $0x0  }
0x34: {  	s18 =	simm.s32 @!p1 $0x14000;
	s19 =	simm.s32 @!p1 $0x3;
	[sflag:s17] =	ssyncadd.s32 @!p0 $0xFFFFC000  }
0x35: {  	[tilespmem:s18], [sflag:$0x3] =	stream.linear.gather @!p1 [hbm4b:s15+s16], $0x80, $0x38;
	[tilespmem:$0x18100] =	vst v63  }
0x36: {  	_ =	swait.ge @!p1 [sflag:s19], $0x80  }
0x37: {  	[sflag:s19] =	ssyncset.done @!p1 $0x0  }
0x38: {  	s14 =	sadd.s32 @!p1 s14, s10;
	s15 =	simm.s32 @!p1 $0x14080;
	[sflag:s19] =	ssyncadd.s32 @!p1 $0xFFFFFF80  }
0x39: {  	[tilespmem:s15], [sflag:$0x3] =	stream.linear.gather @!p1 [hbm4b:s14+s16], $0x80, $0x38;
	[tilespmem:$0x18100] =	vst v63  }
0x3a: {  	p0 =	por p1, p1;
	_ =	swait.ge @!p1 [sflag:s19], $0x80  }
0x3b: {  	s17 =	simm.s32 @!p0 $0x1;
	[sflag:s19] =	ssyncset.done @!p0 $0x0  }
0x3c: {  	s14 =	simm.s32 @!p0 $0x80;
	s16 =	simm.s32 @!p0 $0x14100;
	[sflag:s19] =	ssyncadd.s32 @!p0 $0xFFFFFF80  }
0x3d: {  	[tilespmem:s16], [sflag:$0x1] =	stream.indirect.gather @!p0 [hbm4b:s5+s14], $0x80, s18, s14, $0xb8;
	[tilespmem:$0x18100] =	vst v63  }
0x3e: {  	_ =	swait.ge @!p0 [sflag:s17], $0x4000  }
0x3f: {  	[sflag:s17] =	ssyncset.done @!p0 $0x0  }
0x40: {  	[sflag:s17] =	ssyncadd.s32 @!p0 $0xFFFFC000;
	s17 =	simm.s32 @!p0 $0x2  }
0x41: {  	[spmem:s2] =	stream.indirect.scatter.add.f32 @!p0 [tilespmem:s16], [sflag:$0x2], $0x80, s15, s14, $0xb8;
	[tilespmem:$0x18100] =	vst v63  }
0x42: {  	_ =	swait.ge @!p0 [sflag:s17], $0x4000  }
0x43: {  	s4 =	sadd.s32 $0x1, s4;
	[sflag:s17] =	ssyncset.done @!p0 $0x0  }
0x44: {  	[sflag:s17] =	ssyncadd.s32 @!p0 $0xFFFFC000;
	p0 =	sne.s32 s4, s9  }
.Ltmp1:
0x45: {  	[bflag:$0x0] =	sbarrier.arrive $0xFFFF;
	(pc) =	sbr.rel @p0 .LBB2_1-.Ltmp1, $4  }
0x46: {  	[hbm:s8], [sflag:s7] =	dma.local [spmem:s12], $0x2800  }
0x47: {  	_ =	swait.ge [sflag:s13], $0x2800  }
0x48: {  	[sflag:s13] =	ssyncset.done $0x0  }
0x49: {  	[sflag:s13] =	ssyncadd.s32 $0xFFFFD800  }
0x4a: {  	_ =	sfence.sel $0x180000  }
0x4b: {  	[bflag:$0x0] =	sbarrier.arrive $0xFFFF  }
0x4c: {  	p0 =	sne.s32 s3, $0x0;
	_ =	strace $0x9000004D  }
0x4d: {  	s0 =	sadd.s32 @!p0 $0x100000, s0;
	[bflag:$0x2] =	sbarrier.arrive $0xFFFF  }
0x4e: {  	[sflag:s0] =	ssyncadd.tile.s32 @!p0 $0x1;
	_ =	shalt  }
.Lfunc_end2:
_tile_overlayer_lowered:
.L_overlay_start_2:
0x4f: {  	(tag) =	ssettag $0x2  }
0x50: {  	s0 =	rddreg [dreg:$0x0];
	s2 =	stileid.u32  }
0x51: {  	s1 =	rddreg [dreg:$0x1];
	p0 =	sne.s32 s2, $0x0  }
0x52: {  	s3 =	rddreg [dreg:$0x2];
	[bflag:$0x3] =	sbarrier.arrive $0xFFFF;
	s2 =	simm.s32 @!p0 $0x1C02  }
0x53: {  	[timem:s3], [sflag:s2] =	dma.local @!p0 [hbm:s0], s1  }
0x54: {  	s0 =	simm.s32 @!p0 $0x2  }
0x55: {  	_ =	swait.ge @!p0 [sflag:s0], s1  }
0x56: {  	s1 =	ssub.s32 @!p0 $0x0, s1;
	[sflag:s0] =	ssyncset.done @!p0 $0x0  }
0x57: {  	[sflag:s0] =	ssyncadd.s32 @!p0 s1  }
0x58: {  	[bflag:$0x3] =	sbarrier.arrive $0xFFFF  }
0x59: {  	_ =	shalt  }

// kernel: kernel.18.cloned.1.call-start
scs
__scs_entry_jumppad:
0x0: {  	(pc) =	sbr.rel $0x88, $3  }
0x1: {  	(tag) =	ssettag $0x0;
	lr =	simm.s32 $0x1  }
0x2: {  	[smem:$0x3F98] =	sst lr;
	_ =	strace $0xD0000000  }
0x3: {  	_ = 	snop  }
0x4: {  	_ = 	snop  }
0x5: {  	_ = 	snop  }
0x6: {  	_ = 	snop  }
0x7: {  	_ = 	snop  }
__scs_overlays_trampoline_lowered:
0x8: {  	[smem:$0x3FA7] =	sst s0  }
0x9: {  	[smem:$0x3FA8] =	sst s1  }
0xa: {  	[smem:$0x3FA9] =	sst s2  }
0xb: {  	[smem:$0x3FAA] =	sst s3  }
0xc: {  	[smem:$0x3FAB] =	sst s4  }
0xd: {  	[smem:$0x3FAC] =	sst s5  }
0xe: {  	[smem:$0x3FAD] =	sst s6  }
0xf: {  	[smem:$0x3FAE] =	sst s7  }
0x10: {  	[smem:$0x3FAF] =	sst s8  }
0x11: {  	[smem:$0x3FB0] =	sst s9;
	s0 =	simm.s32 @!p0 $0x0  }
0x12: {  	s1 =	sld [smem:$0x3F96];
	s0 =	simm.s32 @p0 $0x1  }
0x13: {  	[smem:$0x3FB1] =	sst s0;
	s0 =	simm.s32 @!p1 $0x0  }
0x14: {  	s2 =	sld [smem:$0x3F95];
	s0 =	simm.s32 @p1 $0x1  }
0x15: {  	[smem:$0x3FB2] =	sst s0;
	s0 =	simm.s32 @!p2 $0x0  }
0x16: {  	s3 =	sld [smem:$0x3FDB];
	s0 =	simm.s32 @p2 $0x1  }
0x17: {  	s4 =	simm.s32 $0x1BF5;
	[smem:$0x3FB4] =	sst s0  }
0x18: {  	s0 =	sld [smem:$0x3F97];
	_ =	swait.ge [sflag:s4], $0x0  }
0x19: {  	s7 =	sld [smem:$0x3F98]  }
0x1a: {  	s8 =	sadd.s32 $0xFFFFE003, lr  }
0x1b: {  	s9 =	sadd.s32 $0xFFFFFEF7, lr;
	s5 =	simm.s32 $0xFFFFFFFF;
	p2 =	slt.u32 s8, $0xFFFFF086  }
0x1c: {  	p1 =	slt.u32 s9, $0xF7A;
	s5 =	simm.s32 @!p2 $0x0  }
0x1d: {  	s5 =	simm.s32 @p1 $0x1;
	p0 =	seq.s32 s7, s2  }
0x1e: {  	s7 =	smul.u32 @!p0 $0xF7A, s2;
	p2 =	seq.s32 @!p0 s5, $0x0  }
0x1f: {  	s9 =	smul.u32 $0xF7A, s1;
	s8 =	simm.s32 @!p0 $0x1BF5;
	p2 =	por !p2, p0  }
0x20: {  	[sflag:s8] =	ssyncset.s32 @!p0 $0xFFFFF086;
	s6 =	sadd.s32 @!p0 s3, s7;
	s7 =	simm.s32 @!p0 $0x108  }
0x21: {  	s3 =	sadd.s32 s3, s9;
	s6 =	sadd.s32 @!p0 $0x88, s6;
	s7 =	simm.s32 @p2 $0x1082  }
0x22: {  	[simem:s7], [sflag:s8] =	dma.local @!p0 [hbm:s6], $0xF7A  }
0x23: {  	s9 =	sor.u32 $0xD0000000, s2;
	s6 =	simm.s32 $0x108;
	_ =	swait.ge @!p0 [sflag:s8], $0x0  }
0x24: {  	s3 =	sadd.s32 $0x88, s3;
	s6 =	simm.s32 @!p1 $0x1082;
	[sflag:s4] =	ssyncset.s32 $0xFFFFF086  }
0x25: {  	[simem:s6], [sflag:s4] =	dma.local [hbm:s3], $0xF7A  }
0x26: {  	[smem:$0x3F98] =	sst s1;
	(tag) =	ssettag s2;
	_ =	strace s9  }
0x27: {  	s1 =	sld [smem:$0x3FA8]  }
0x28: {  	s2 =	sld [smem:$0x3FA9]  }
0x29: {  	s4 =	sld [smem:$0x3FAB]  }
0x2a: {  	p0 =	seq.s32 s5, $0x0;
	s5 =	sld [smem:$0x3FAC]  }
0x2b: {  	s6 =	sld [smem:$0x3FAD]  }
0x2c: {  	s7 =	sld [smem:$0x3FAE]  }
0x2d: {  	s3 =	simm.s32 $0x108;
	s8 =	sld [smem:$0x3FAF]  }
0x2e: {  	s3 =	simm.s32 @!p0 $0x1082;
	s9 =	sld [smem:$0x3FB0]  }
0x2f: {  	lr =	sadd.s32 s0, s3;
	s0 =	sld [smem:$0x3FA7]  }
0x30: {  	s3 =	sld [smem:$0x3FAA]  }
0x31: {  	[smem:$0x3FB3] =	sst s10  }
0x32: {  	s10 =	sld [smem:$0x3FB1];
	_ =	sdelay $0x3  }
0x33: {  	p0 =	seq.s32 s10, $0x1;
	s10 =	sld [smem:$0x3FB3];
	_ =	sdelay $0x3  }
0x34: {  	[smem:$0x3FB3] =	sst s10  }
0x35: {  	s10 =	sld [smem:$0x3FB2];
	_ =	sdelay $0x3  }
0x36: {  	p1 =	seq.s32 s10, $0x1;
	s10 =	sld [smem:$0x3FB3];
	_ =	sdelay $0x3  }
0x37: {  	[smem:$0x3FB3] =	sst s10  }
0x38: {  	s10 =	sld [smem:$0x3FB4]  }
0x39: {  	_ = 	snop;
	(pc) =	sbr.ind lr, $3  }
0x3a: {  	_ = 	snop  }
0x3b: {  	_ = 	snop  }
0x3c: {  	p2 =	seq.s32 s10, $0x1;
	s10 =	sld [smem:$0x3FB3]  }
0x3d: {  	_ =	shalt  }
0x3e: {  	_ =	shalt  }
0x3f: {  	_ =	shalt  }
0x40: {  	_ =	shalt  }
0x41: {  	_ =	shalt  }
0x42: {  	_ =	shalt  }
0x43: {  	_ =	shalt  }
0x44: {  	_ =	shalt  }
0x45: {  	_ =	shalt  }
0x46: {  	_ =	shalt  }
0x47: {  	_ =	shalt  }
0x48: {  	_ =	shalt  }
0x49: {  	_ =	shalt  }
0x4a: {  	_ =	shalt  }
0x4b: {  	_ =	shalt  }
0x4c: {  	_ =	shalt  }
0x4d: {  	_ =	shalt  }
0x4e: {  	_ =	shalt  }
0x4f: {  	_ =	shalt  }
0x50: {  	_ =	shalt  }
0x51: {  	_ =	shalt  }
0x52: {  	_ =	shalt  }
0x53: {  	_ =	shalt  }
0x54: {  	_ =	shalt  }
0x55: {  	_ =	shalt  }
0x56: {  	_ =	shalt  }
0x57: {  	_ =	shalt  }
0x58: {  	_ =	shalt  }
0x59: {  	_ =	shalt  }
0x5a: {  	_ =	shalt  }
0x5b: {  	_ =	shalt  }
0x5c: {  	_ =	shalt  }
0x5d: {  	_ =	shalt  }
0x5e: {  	_ =	shalt  }
0x5f: {  	_ =	shalt  }
0x60: {  	_ =	shalt  }
0x61: {  	_ =	shalt  }
0x62: {  	_ =	shalt  }
0x63: {  	_ =	shalt  }
0x64: {  	_ =	shalt  }
0x65: {  	_ =	shalt  }
0x66: {  	_ =	shalt  }
0x67: {  	_ =	shalt  }
0x68: {  	_ =	shalt  }
0x69: {  	_ =	shalt  }
0x6a: {  	_ =	shalt  }
0x6b: {  	_ =	shalt  }
0x6c: {  	_ =	shalt  }
0x6d: {  	_ =	shalt  }
0x6e: {  	_ =	shalt  }
0x6f: {  	_ =	shalt  }
0x70: {  	_ =	shalt  }
0x71: {  	_ =	shalt  }
0x72: {  	_ =	shalt  }
0x73: {  	_ =	shalt  }
0x74: {  	_ =	shalt  }
0x75: {  	_ =	shalt  }
0x76: {  	_ =	shalt  }
0x77: {  	_ =	shalt  }
0x78: {  	_ =	shalt  }
0x79: {  	_ =	shalt  }
0x7a: {  	_ =	shalt  }
0x7b: {  	_ =	shalt  }
0x7c: {  	_ =	shalt  }
0x7d: {  	_ =	shalt  }
0x7e: {  	_ =	shalt  }
0x7f: {  	_ =	shalt  }
0x80: {  	_ =	shalt  }
0x81: {  	_ =	shalt  }
0x82: {  	_ =	shalt  }
0x83: {  	_ =	shalt  }
0x84: {  	_ =	shalt  }
0x85: {  	_ =	shalt  }
0x86: {  	_ =	shalt  }
0x87: {  	_ =	shalt  }
.Lfunc_end0:
.L_simem_size_0:
called_computation.3_lowered:
.L_overlay_start_0:
0x88: {  	s2 =	sld [smem:$0x3FD9]  }
0x89: {  	s3 =	sld [smem:$0x3FFE];
	_ =	sdelay $0x1  }
0x8a: {  	s1 =	srdreg.scid  }
0x8b: {  	s0 =	sand.u32 $0x1, s1  }
0x8c: {  	s16 =	sshll.u32 s0, $0xA;
	s2 =	sadd.s32 s3, s2  }
0x8d: {  	s2 =	sadd.s32 s2, s16  }
0x8e: {  	[smem:$0x3FBF] =	sst s2  }
0x8f: {  	_ = 	snop  }
0x90: {  	(tm) =	ssettm $0x1  }
0x91: {  	s17 =	sld [smem:$0x3FFB];
	_ =	sdelay $0x3  }
0x92: {  	_ =	strace s17  }
0x93: {  	s2 =	sld [smem:$0x3FFC];
	_ =	sdelay $0x3  }
0x94: {  	_ =	strace s2  }
0x95: {  	s2 =	sld [smem:$0x3FFD];
	_ =	sdelay $0x3  }
0x96: {  	_ =	strace s2  }
0x97: {  	_ =	strace $0x8FFFFFFF  }
0x98: {  	s18 =	sld [smem:$0x3FDB];
	_ =	sdelay $0x1  }
0x99: {  	s19 =	simm.s32 $_scs_section_size  }
0x9a: {  	s4 =	simm.s32 $_size__tile_overlayer_lowered;
	s5 =	simm.s32 $_tile_overlayer_lowered  }
0x9b: {  	s22 =	simm.s32 $0x1BFF;
	s21 =	sshll.u32 s5, $0x1;
	s2 =	sadd.s32 s19, s18  }
0x9c: {  	s6 =	simm.s32 $0x0;
	s20 =	sshll.u32 s4, $0x1;
	s4 =	sadd.s32 s21, s2  }
0x9d: {  	[timem:s6], [sflag:s22] =	dma.local [hbm:s4], s20  }
0x9e: {  	_ =	swait.ge [sflag:s22], s20  }
0x9f: {  	s3 =	ssub.s32 $0x0, s20;
	[sflag:s22] =	ssyncset.done $0x0  }
0xa0: {  	[sflag:s22] =	ssyncadd.s32 s3;
	_ =	sdelay $0x1  }
0xa1: {  	s23 =	simm.s32 $0x1B8B  }
0xa2: {  	_ =	swait.ge [sflag:s23], $0x1  }
0xa3: {  	[sflag:s23] =	ssyncset.done $0x0  }
0xa4: {  	s25 =	simm.s32 $0x1B8E;
	s24 =	sld [smem:$0x3FFE];
	[sflag:s23] =	ssyncadd.s32 $0xFFFFFFFF  }
0xa5: {  	s26 =	simm.s32 $execute0_lowered;
	[smem:$0x3FD2] =	sst s25  }
0xa6: {  	s4 =	sshll.u32 s26, $0x1;
	_ =	strace $0x8000004F;
	[dreg:$0x1] =	wrdreg $0xFFFFFFFF  }
0xa7: {  	s28 =	simm.s32 $_size_execute0_lowered;
	s2 =	sadd.s32 s2, s4;
	[dreg:$0x0] =	wrdreg $0x0  }
0xa8: {  	s4 =	sshll.u32 s28, $0x1;
	[dreg:$0x2] =	wrdreg s2  }
0xa9: {  	[dreg:$0x3] =	wrdreg s4  }
0xaa: {  	[dreg:$0x4] =	wrdreg $0xC0  }
0xab: {  	_ =	task [dreg:s6], $0x5FFFF  }
0xac: {  	[dreg:$0x1] =	wrdreg $0xFFFFFFFF  }
0xad: {  	[dreg:$0x0] =	wrdreg $0x60  }
0xae: {  	[dreg:$0x2] =	wrdreg s24  }
0xaf: {  	[dreg:$0x3] =	wrdreg $0x9  }
0xb0: {  	_ =	task.clear_ibuf [dreg:s6], $0x4FFFF;
	_ =	strace $0x9000004F  }
0xb1: {  	s29 =	simm.s32 $0x9;
	_ =	strace $0x80000051  }
0xb2: {  	_ =	swait.ge [sflag:s29], $0x1  }
0xb3: {  	[sflag:s29] =	ssyncadd.s32 $0xFFFFFFFF  }
0xb4: {  	_ =	strace $0x90000051  }
0xb5: {  	_ =	sfence  }
0xb6: {  	s30 =	sld [smem:$0x0];
	_ =	sdelay $0x2  }
0xb7: {  	s31 =	sshll.u32 s1, $0xD;
	s1 =	sshrl.u32 s1, $0x2  }
0xb8: {  	s3 =	sand.u32 $0x4000, s31;
	s1 =	sadd.s32 s1, s30  }
0xb9: {  	s0 =	sor.u32 s3, s0;
	s1 =	sshll.u32 s1, $0x11  }
0xba: {  	s0 =	sor.u32 s1, s0  }
0xbb: {  	s0 =	sadd.s32 $0x8F2B, s0  }
0xbc: {  	[sflag:s0] =	ssyncadd.remote.s32 $0x1  }
0xbd: {  	_ =	sfence.sel $0xFFFF  }
0xbe: {  	[dreg:$0x0] =	wrdreg $0xFFFFFFFF;
	(pc) =	sbr.abs _section_cstart, $3  }
0xbf: {  	[dreg:$0x1] =	wrdreg $0xFFFFFFFF  }
0xc0: {  	_ =	task.clear_ibuf [dreg:s6], $0x2FFFF;
	_ =	strace $0x9FFFFFFF  }
0xc1: {  	(tm) =	ssettm $0x7FFFFFFF  }
tec
execute0_lowered:
.L_overlay_start_1:
0x0: {  	(tag) =	ssettag $0x1  }
0x1: {  	s7 =	rddreg [dreg:$0x0]  }
0x2: {  	s0 =	rddreg [dreg:$0x1];
	s1 =	simm.s32 $0x0;
	s2 =	srdreg.scid  }
0x3: {  	s4 =	stileid.u32;
	s10 =	simm.s32 $0x4;
	s11 =	simm.s32 $0x80  }
0x4: {  	s12 =	simm.s32 $0x100;
	s13 =	simm.s32 $0x4100;
	s14 =	simm.s32 $0x1  }
0x5: {  	v0 =	vlaneseq.u32;
	s15 =	simm.s32 $0x2;
	s16 =	simm.s32 $0x8100;
	s17 =	simm.s32 $0x3  }
.Ltmp0:
0x6: {  	s18 =	simm.s32 $0x0;
	s2 =	sand.u32 $0x1, s2;
	v0 =	vmul.u32 $0x80, v0;
	(pc) =	sbr.rel .LBB2_1-.Ltmp0, $4  }
0x7: {  	s22 =	simm.s32 $0x0;
	[smem:$0x7FF] =	sst s1;
	s8 =	ssub.s32 $0x2, s2  }
0x8: {  	s3 =	sadd.s32 $0x8C800, s7;
	s5 =	sadd.s32 $0xA0200, s7;
	s9 =	sshrl.u32 s8, $0x1;
	v1 =	vor.u32 $0x800, v0  }
0x9: {  	s6 =	sadd.s32 $0x1A00, s7;
	s7 =	sadd.s32 $0x28C00, s7;
	v2 =	vor.u32 $0x1000, v0;
	v3 =	vor.u32 $0x1800, v0;
	v4 =	vor.u32 $0x2000, v0;
	s9 =	ssub.s32 s8, s9  }
0xa: {  	_ =	strace $0x80000050;
	v5 =	vor.u32 $0x2800, v0;
	v6 =	vor.u32 $0x3000, v0;
	v7 =	vor.u32 $0x3800, v0;
	s8 =	sshll.u32 s4, $0x1;
	s9 =	smax.u32 s9, $0x1  }
.LBB2_21:
0xb: {  	s18 =	sadd.s32 $0x1, s18  }
0xc: {  	p0 =	sne.s32 s18, s9  }
.Ltmp1:
0xd: {  	_ = 	snop;
	(pc) =	sbr.rel @!p0 .LBB2_22-.Ltmp1, $1  }
0xe: {  	_ =	sdelay $0x3  }
.LBB2_1:
.Ltmp2:
0xf: {  	(pc) =	sbr.rel .LBB2_2-.Ltmp2, $2  }
0x10: {  	_ =	sdelay $0x2  }
0x11: {  	s19 =	simm.s32 $0x0  }
.LBB2_20:
0x12: {  	s19 =	sadd.s32 $0x1, s19  }
0x13: {  	p0 =	sne.s32 s19, $0x9D  }
.Ltmp3:
0x14: {  	_ = 	snop;
	(pc) =	sbr.rel @!p0 .LBB2_21-.Ltmp3, $1  }
0x15: {  	_ =	sdelay $0x3  }
.LBB2_2:
0x16: {  	s20 =	sshll.u32 s19, $0x5  }
0x17: {  	s20 =	sor.u32 s8, s20  }
0x18: {  	p0 =	sgt.u32 s20, $0x1387  }
.Ltmp4:
0x19: {  	_ = 	snop;
	(pc) =	sbr.rel @p0 .LBB2_20-.Ltmp4, $1  }
0x1a: {  	_ =	sdelay $0x3  }
0x1b: {  	s20 =	sor.u32 s2, s20  }
0x1c: {  	s20 =	sshll.u32 s20, $0x4  }
0x1d: {  	s21 =	sadd.s32 s3, s20  }
0x1e: {  	[tilespmem:s22], [sflag:$0x4] =	stream.linear.gather [hbm4b:s21+s22], $0x80, $0x38;
	[tilespmem:$0x8180] =	vst v63  }
0x1f: {  	_ =	swait.ge [sflag:s10], $0x80  }
0x20: {  	[sflag:s10] =	ssyncset.done $0x0  }
0x21: {  	s29 =	sadd.s32 s5, s20;
	[sflag:s10] =	ssyncadd.s32 $0xFFFFFF80  }
0x22: {  	[tilespmem:s11], [sflag:$0x4] =	stream.linear.gather [hbm4b:s29+s22], $0x80, $0x38;
	[tilespmem:$0x8180] =	vst v63  }
0x23: {  	_ =	swait.ge [sflag:s10], $0x80  }
0x24: {  	[sflag:s10] =	ssyncset.done $0x0  }
0x25: {  	[sflag:s10] =	ssyncadd.s32 $0xFFFFFF80  }
0x26: {  	v8 =	vmov s22;
	[tilespmem:s12], [sflag:$0x1] =	stream.indirect.gather [hbm4b:s6+s11], $0x80, s22, s11, $0xb8;
	[tilespmem:$0x8180] =	vst v63  }
0x27: {  	v8 =	vand.u32 $0x7F, v8  }
0x28: {  	v8 =	vbroadcast v8, $0x0;
	[tilespmem:s13], [sflag:$0x2] =	stream.indirect.gather [hbm4b:s6+s11], $0x80, s11, s11, $0xb8;
	[tilespmem:$0x8180] =	vst v63  }
0x29: {  	_ =	swait.ge [sflag:s14], $0x4000  }
0x2a: {  	s30 =	simm.s32 $0x1;
	v8 =	vor.u32 v0, v8;
	[sflag:s14] =	ssyncset.done $0x0  }
0x2b: {  	v9 =	vmov s30;
	[sflag:s14] =	ssyncadd.s32 $0xFFFFC000  }
0x2c: {  	v9 =	vand.u32 $0x7F, v9;
	_ =	swait.ge [sflag:s15], $0x4000  }
0x2d: {  	v9 =	vbroadcast v9, $0x0;
	[sflag:s15] =	ssyncset.done $0x0  }
0x2e: {  	[sflag:s15] =	ssyncadd.s32 $0xFFFFC000  }
0x2f: {  	v10 =	vor.u32 v0, v9;
	v12 =	vld.idx.msk [tilespmem:v8+s12+$0x0], $0xffff  }
0x30: {  	s31 =	simm.s32 $0x2;
	v13 =	vld.idx.msk [tilespmem:v8+s13+$0x0], $0xffff  }
0x31: {  	v8 =	vmov s31  }
0x32: {  	v8 =	vand.u32 $0x7F, v8  }
0x33: {  	v11 =	vbroadcast v8, $0x0  }
0x34: {  	v8 =	vld.idx.msk [tilespmem:v10+s12+$0x0], $0xffff  }
0x35: {  	s21 =	simm.s32 $0x3;
	v9 =	vimm.f32 $0.0e+00;
	v10 =	vld.idx.msk [tilespmem:v10+s13+$0x0], $0xffff;
	v11 =	vor.u32 v0, v11;
	v12 =	vmul.f32 v13, v12  }
.LBB2_4:
0x36: {  	p0 =	sne.s32 s21, $0x7F  }
.Ltmp5:
0x37: {  	v13 =	vmov s21;
	v9 =	vadd.f32 v12, v9;
	(pc) =	sbr.rel @p0 .LBB2_4-.Ltmp5, $4  }
0x38: {  	s21 =	sadd.s32 $0x1, s21;
	v14 =	vand.u32 $0x7F, v13  }
0x39: {  	v13 =	vbroadcast v14, $0x0  }
0x3a: {  	v12 =	vmov v8;
	v8 =	vld.idx.msk [tilespmem:v11+s12+$0x0], $0xffff  }
0x3b: {  	v12 =	vmul.f32 v10, v12;
	v10 =	vld.idx.msk [tilespmem:v11+s13+$0x0], $0xffff;
	v11 =	vor.u32 v0, v13  }
0x3c: {  	_ =	sdelay $0x3  }
0x3d: {  	v13 =	vld.idx.msk [tilespmem:v11+s12+$0x0], $0xffff  }
0x3e: {  	v11 =	vld.idx.msk [tilespmem:v11+s13+$0x0], $0xffff;
	s21 =	simm.s32 $0x0  }
0x3f: {  	v14 =	vmov s21  }
0x40: {  	v14 =	vand.u32 $0x7F, v14  }
0x41: {  	v9 =	vadd.f32 v12, v9;
	v8 =	vmul.f32 v10, v8;
	v10 =	vbroadcast v14, $0x0;
	_ =	sdelay $0x1  }
0x42: {  	s30 =	simm.s32 $0x1;
	v8 =	vadd.f32 v8, v9;
	v9 =	vmul.f32 v11, v13;
	v10 =	vor.u32 v1, v10  }
0x43: {  	v11 =	vmov s30  }
0x44: {  	v8 =	vadd.f32 v9, v8;
	v9 =	vand.u32 $0x7F, v11  }
0x45: {  	v9 =	vbroadcast v9, $0x0  }
0x46: {  	[tilespmem:$0x8100] =	vst v8  }
0x47: {  	v12 =	vld.idx.msk [tilespmem:v10+s12+$0x0], $0xffff;
	v13 =	vor.u32 v1, v9  }
0x48: {  	s31 =	simm.s32 $0x2;
	v14 =	vld.idx.msk [tilespmem:v10+s13+$0x0], $0xffff  }
0x49: {  	v8 =	vmov s31  }
0x4a: {  	v8 =	vand.u32 $0x7F, v8  }
0x4b: {  	v10 =	vbroadcast v8, $0x0  }
0x4c: {  	v8 =	vld.idx.msk [tilespmem:v13+s12+$0x0], $0xffff  }
0x4d: {  	s21 =	simm.s32 $0x3;
	v9 =	vimm.f32 $0.0e+00;
	v11 =	vor.u32 v1, v10;
	v10 =	vld.idx.msk [tilespmem:v13+s13+$0x0], $0xffff;
	v12 =	vmul.f32 v14, v12  }
.LBB2_6:
0x4e: {  	p0 =	sne.s32 s21, $0x7F  }
.Ltmp6:
0x4f: {  	v13 =	vmov s21;
	v9 =	vadd.f32 v12, v9;
	(pc) =	sbr.rel @p0 .LBB2_6-.Ltmp6, $4  }
0x50: {  	s21 =	sadd.s32 $0x1, s21;
	v14 =	vand.u32 $0x7F, v13  }
0x51: {  	v13 =	vbroadcast v14, $0x0  }
0x52: {  	v12 =	vmov v8;
	v8 =	vld.idx.msk [tilespmem:v11+s12+$0x0], $0xffff  }
0x53: {  	v12 =	vmul.f32 v10, v12;
	v10 =	vld.idx.msk [tilespmem:v11+s13+$0x0], $0xffff;
	v11 =	vor.u32 v1, v13  }
0x54: {  	_ =	sdelay $0x3  }
0x55: {  	v13 =	vld.idx.msk [tilespmem:v11+s12+$0x0], $0xffff  }
0x56: {  	v11 =	vld.idx.msk [tilespmem:v11+s13+$0x0], $0xffff;
	s21 =	simm.s32 $0x0  }
0x57: {  	v14 =	vmov s21  }
0x58: {  	v14 =	vand.u32 $0x7F, v14  }
0x59: {  	v9 =	vadd.f32 v12, v9;
	v8 =	vmul.f32 v10, v8;
	v10 =	vbroadcast v14, $0x0;
	_ =	sdelay $0x1  }
0x5a: {  	s30 =	simm.s32 $0x1;
	v8 =	vadd.f32 v8, v9;
	v9 =	vmul.f32 v11, v13;
	v10 =	vor.u32 v2, v10  }
0x5b: {  	v11 =	vmov s30  }
0x5c: {  	v8 =	vadd.f32 v9, v8;
	v9 =	vand.u32 $0x7F, v11  }
0x5d: {  	v9 =	vbroadcast v9, $0x0  }
0x5e: {  	[tilespmem:$0x8110] =	vst v8  }
0x5f: {  	v12 =	vld.idx.msk [tilespmem:v10+s12+$0x0], $0xffff;
	v13 =	vor.u32 v2, v9  }
0x60: {  	s31 =	simm.s32 $0x2;
	v14 =	vld.idx.msk [tilespmem:v10+s13+$0x0], $0xffff  }
0x61: {  	v8 =	vmov s31  }
0x62: {  	v8 =	vand.u32 $0x7F, v8  }
0x63: {  	v10 =	vbroadcast v8, $0x0  }
0x64: {  	v8 =	vld.idx.msk [tilespmem:v13+s12+$0x0], $0xffff  }
0x65: {  	s21 =	simm.s32 $0x3;
	v9 =	vimm.f32 $0.0e+00;
	v11 =	vor.u32 v2, v10;
	v10 =	vld.idx.msk [tilespmem:v13+s13+$0x0], $0xffff;
	v12 =	vmul.f32 v14, v12  }
.LBB2_8:
0x66: {  	p0 =	sne.s32 s21, $0x7F  }
.Ltmp7:
0x67: {  	v13 =	vmov s21;
	v9 =	vadd.f32 v12, v9;
	(pc) =	sbr.rel @p0 .LBB2_8-.Ltmp7, $4  }
0x68: {  	s21 =	sadd.s32 $0x1, s21;
	v14 =	vand.u32 $0x7F, v13  }
0x69: {  	v13 =	vbroadcast v14, $0x0  }
0x6a: {  	v12 =	vmov v8;
	v8 =	vld.idx.msk [tilespmem:v11+s12+$0x0], $0xffff  }
0x6b: {  	v12 =	vmul.f32 v10, v12;
	v10 =	vld.idx.msk [tilespmem:v11+s13+$0x0], $0xffff;
	v11 =	vor.u32 v2, v13  }
0x6c: {  	_ =	sdelay $0x3  }
0x6d: {  	v13 =	vld.idx.msk [tilespmem:v11+s12+$0x0], $0xffff  }
0x6e: {  	v11 =	vld.idx.msk [tilespmem:v11+s13+$0x0], $0xffff;
	s21 =	simm.s32 $0x0  }
0x6f: {  	v14 =	vmov s21  }
0x70: {  	v14 =	vand.u32 $0x7F, v14  }
0x71: {  	v9 =	vadd.f32 v12, v9;
	v8 =	vmul.f32 v10, v8;
	v10 =	vbroadcast v14, $0x0;
	_ =	sdelay $0x1  }
0x72: {  	s30 =	simm.s32 $0x1;
	v8 =	vadd.f32 v8, v9;
	v9 =	vmul.f32 v11, v13;
	v10 =	vor.u32 v3, v10  }
0x73: {  	v11 =	vmov s30  }
0x74: {  	v8 =	vadd.f32 v9, v8;
	v9 =	vand.u32 $0x7F, v11  }
0x75: {  	v9 =	vbroadcast v9, $0x0  }
0x76: {  	[tilespmem:$0x8120] =	vst v8  }
0x77: {  	v12 =	vld.idx.msk [tilespmem:v10+s12+$0x0], $0xffff;
	v13 =	vor.u32 v3, v9  }
0x78: {  	s31 =	simm.s32 $0x2;
	v14 =	vld.idx.msk [tilespmem:v10+s13+$0x0], $0xffff  }
0x79: {  	v8 =	vmov s31  }
0x7a: {  	v8 =	vand.u32 $0x7F, v8  }
0x7b: {  	v10 =	vbroadcast v8, $0x0  }
0x7c: {  	v8 =	vld.idx.msk [tilespmem:v13+s12+$0x0], $0xffff  }
0x7d: {  	s21 =	simm.s32 $0x3;
	v9 =	vimm.f32 $0.0e+00;
	v11 =	vor.u32 v3, v10;
	v10 =	vld.idx.msk [tilespmem:v13+s13+$0x0], $0xffff;
	v12 =	vmul.f32 v14, v12  }
.LBB2_10:
0x7e: {  	p0 =	sne.s32 s21, $0x7F  }
.Ltmp8:
0x7f: {  	v13 =	vmov s21;
	v9 =	vadd.f32 v12, v9;
	(pc) =	sbr.rel @p0 .LBB2_10-.Ltmp8, $4  }
0x80: {  	s21 =	sadd.s32 $0x1, s21;
	v14 =	vand.u32 $0x7F, v13  }
0x81: {  	v13 =	vbroadcast v14, $0x0  }
0x82: {  	v12 =	vmov v8;
	v8 =	vld.idx.msk [tilespmem:v11+s12+$0x0], $0xffff  }
0x83: {  	v12 =	vmul.f32 v10, v12;
	v10 =	vld.idx.msk [tilespmem:v11+s13+$0x0], $0xffff;
	v11 =	vor.u32 v3, v13  }
0x84: {  	_ =	sdelay $0x3  }
0x85: {  	v13 =	vld.idx.msk [tilespmem:v11+s12+$0x0], $0xffff  }
0x86: {  	v11 =	vld.idx.msk [tilespmem:v11+s13+$0x0], $0xffff;
	s21 =	simm.s32 $0x0  }
0x87: {  	v14 =	vmov s21  }
0x88: {  	v14 =	vand.u32 $0x7F, v14  }
0x89: {  	v9 =	vadd.f32 v12, v9;
	v8 =	vmul.f32 v10, v8;
	v10 =	vbroadcast v14, $0x0;
	_ =	sdelay $0x1  }
0x8a: {  	s30 =	simm.s32 $0x1;
	v8 =	vadd.f32 v8, v9;
	v9 =	vmul.f32 v11, v13;
	v10 =	vor.u32 v4, v10  }
0x8b: {  	v11 =	vmov s30  }
0x8c: {  	v8 =	vadd.f32 v9, v8;
	v9 =	vand.u32 $0x7F, v11  }
0x8d: {  	v9 =	vbroadcast v9, $0x0  }
0x8e: {  	[tilespmem:$0x8130] =	vst v8  }
0x8f: {  	v12 =	vld.idx.msk [tilespmem:v10+s12+$0x0], $0xffff;
	v13 =	vor.u32 v4, v9  }
0x90: {  	s31 =	simm.s32 $0x2;
	v14 =	vld.idx.msk [tilespmem:v10+s13+$0x0], $0xffff  }
0x91: {  	v8 =	vmov s31  }
0x92: {  	v8 =	vand.u32 $0x7F, v8  }
0x93: {  	v10 =	vbroadcast v8, $0x0  }
0x94: {  	v8 =	vld.idx.msk [tilespmem:v13+s12+$0x0], $0xffff  }
0x95: {  	s21 =	simm.s32 $0x3;
	v9 =	vimm.f32 $0.0e+00;
	v11 =	vor.u32 v4, v10;
	v10 =	vld.idx.msk [tilespmem:v13+s13+$0x0], $0xffff;
	v12 =	vmul.f32 v14, v12  }
.LBB2_12:
0x96: {  	p0 =	sne.s32 s21, $0x7F  }
.Ltmp9:
0x97: {  	v13 =	vmov s21;
	v9 =	vadd.f32 v12, v9;
	(pc) =	sbr.rel @p0 .LBB2_12-.Ltmp9, $4  }
0x98: {  	s21 =	sadd.s32 $0x1, s21;
	v14 =	vand.u32 $0x7F, v13  }
0x99: {  	v13 =	vbroadcast v14, $0x0  }
0x9a: {  	v12 =	vmov v8;
	v8 =	vld.idx.msk [tilespmem:v11+s12+$0x0], $0xffff  }
0x9b: {  	v12 =	vmul.f32 v10, v12;
	v10 =	vld.idx.msk [tilespmem:v11+s13+$0x0], $0xffff;
	v11 =	vor.u32 v4, v13  }
0x9c: {  	_ =	sdelay $0x3  }
0x9d: {  	v13 =	vld.idx.msk [tilespmem:v11+s12+$0x0], $0xffff  }
0x9e: {  	v11 =	vld.idx.msk [tilespmem:v11+s13+$0x0], $0xffff;
	s21 =	simm.s32 $0x0  }
0x9f: {  	v14 =	vmov s21  }
0xa0: {  	v14 =	vand.u32 $0x7F, v14  }
0xa1: {  	v9 =	vadd.f32 v12, v9;
	v8 =	vmul.f32 v10, v8;
	v10 =	vbroadcast v14, $0x0;
	_ =	sdelay $0x1  }
0xa2: {  	s30 =	simm.s32 $0x1;
	v8 =	vadd.f32 v8, v9;
	v9 =	vmul.f32 v11, v13;
	v10 =	vor.u32 v5, v10  }
0xa3: {  	v11 =	vmov s30  }
0xa4: {  	v8 =	vadd.f32 v9, v8;
	v9 =	vand.u32 $0x7F, v11  }
0xa5: {  	v9 =	vbroadcast v9, $0x0  }
0xa6: {  	[tilespmem:$0x8140] =	vst v8  }
0xa7: {  	v12 =	vld.idx.msk [tilespmem:v10+s12+$0x0], $0xffff;
	v13 =	vor.u32 v5, v9  }
0xa8: {  	s31 =	simm.s32 $0x2;
	v14 =	vld.idx.msk [tilespmem:v10+s13+$0x0], $0xffff  }
0xa9: {  	v8 =	vmov s31  }
0xaa: {  	v8 =	vand.u32 $0x7F, v8  }
0xab: {  	v10 =	vbroadcast v8, $0x0  }
0xac: {  	v8 =	vld.idx.msk [tilespmem:v13+s12+$0x0], $0xffff  }
0xad: {  	s21 =	simm.s32 $0x3;
	v9 =	vimm.f32 $0.0e+00;
	v11 =	vor.u32 v5, v10;
	v10 =	vld.idx.msk [tilespmem:v13+s13+$0x0], $0xffff;
	v12 =	vmul.f32 v14, v12  }
.LBB2_14:
0xae: {  	p0 =	sne.s32 s21, $0x7F  }
.Ltmp10:
0xaf: {  	v13 =	vmov s21;
	v9 =	vadd.f32 v12, v9;
	(pc) =	sbr.rel @p0 .LBB2_14-.Ltmp10, $4  }
0xb0: {  	s21 =	sadd.s32 $0x1, s21;
	v14 =	vand.u32 $0x7F, v13  }
0xb1: {  	v13 =	vbroadcast v14, $0x0  }
0xb2: {  	v12 =	vmov v8;
	v8 =	vld.idx.msk [tilespmem:v11+s12+$0x0], $0xffff  }
0xb3: {  	v12 =	vmul.f32 v10, v12;
	v10 =	vld.idx.msk [tilespmem:v11+s13+$0x0], $0xffff;
	v11 =	vor.u32 v5, v13  }
0xb4: {  	_ =	sdelay $0x3  }
0xb5: {  	v13 =	vld.idx.msk [tilespmem:v11+s12+$0x0], $0xffff  }
0xb6: {  	v11 =	vld.idx.msk [tilespmem:v11+s13+$0x0], $0xffff;
	s21 =	simm.s32 $0x0  }
0xb7: {  	v14 =	vmov s21  }
0xb8: {  	v14 =	vand.u32 $0x7F, v14  }
0xb9: {  	v9 =	vadd.f32 v12, v9;
	v8 =	vmul.f32 v10, v8;
	v10 =	vbroadcast v14, $0x0;
	_ =	sdelay $0x1  }
0xba: {  	s30 =	simm.s32 $0x1;
	v8 =	vadd.f32 v8, v9;
	v9 =	vmul.f32 v11, v13;
	v10 =	vor.u32 v6, v10  }
0xbb: {  	v11 =	vmov s30  }
0xbc: {  	v8 =	vadd.f32 v9, v8;
	v9 =	vand.u32 $0x7F, v11  }
0xbd: {  	v9 =	vbroadcast v9, $0x0  }
0xbe: {  	[tilespmem:$0x8150] =	vst v8  }
0xbf: {  	v12 =	vld.idx.msk [tilespmem:v10+s12+$0x0], $0xffff;
	v13 =	vor.u32 v6, v9  }
0xc0: {  	s31 =	simm.s32 $0x2;
	v14 =	vld.idx.msk [tilespmem:v10+s13+$0x0], $0xffff  }
0xc1: {  	v8 =	vmov s31  }
0xc2: {  	v8 =	vand.u32 $0x7F, v8  }
0xc3: {  	v10 =	vbroadcast v8, $0x0  }
0xc4: {  	v8 =	vld.idx.msk [tilespmem:v13+s12+$0x0], $0xffff  }
0xc5: {  	s21 =	simm.s32 $0x3;
	v9 =	vimm.f32 $0.0e+00;
	v11 =	vor.u32 v6, v10;
	v10 =	vld.idx.msk [tilespmem:v13+s13+$0x0], $0xffff;
	v12 =	vmul.f32 v14, v12  }
.LBB2_16:
0xc6: {  	p0 =	sne.s32 s21, $0x7F  }
.Ltmp11:
0xc7: {  	v13 =	vmov s21;
	v9 =	vadd.f32 v12, v9;
	(pc) =	sbr.rel @p0 .LBB2_16-.Ltmp11, $4  }
0xc8: {  	s21 =	sadd.s32 $0x1, s21;
	v14 =	vand.u32 $0x7F, v13  }
0xc9: {  	v13 =	vbroadcast v14, $0x0  }
0xca: {  	v12 =	vmov v8;
	v8 =	vld.idx.msk [tilespmem:v11+s12+$0x0], $0xffff  }
0xcb: {  	v12 =	vmul.f32 v10, v12;
	v10 =	vld.idx.msk [tilespmem:v11+s13+$0x0], $0xffff;
	v11 =	vor.u32 v6, v13  }
0xcc: {  	_ =	sdelay $0x3  }
0xcd: {  	v13 =	vld.idx.msk [tilespmem:v11+s12+$0x0], $0xffff  }
0xce: {  	v11 =	vld.idx.msk [tilespmem:v11+s13+$0x0], $0xffff;
	s21 =	simm.s32 $0x0  }
0xcf: {  	v14 =	vmov s21  }
0xd0: {  	v14 =	vand.u32 $0x7F, v14  }
0xd1: {  	v9 =	vadd.f32 v12, v9;
	v8 =	vmul.f32 v10, v8;
	v10 =	vbroadcast v14, $0x0;
	_ =	sdelay $0x1  }
0xd2: {  	s30 =	simm.s32 $0x1;
	v8 =	vadd.f32 v8, v9;
	v9 =	vmul.f32 v11, v13;
	v10 =	vor.u32 v7, v10  }
0xd3: {  	v11 =	vmov s30  }
0xd4: {  	v8 =	vadd.f32 v9, v8;
	v9 =	vand.u32 $0x7F, v11  }
0xd5: {  	v9 =	vbroadcast v9, $0x0  }
0xd6: {  	[tilespmem:$0x8160] =	vst v8  }
0xd7: {  	v12 =	vld.idx.msk [tilespmem:v10+s12+$0x0], $0xffff;
	v13 =	vor.u32 v7, v9  }
0xd8: {  	s31 =	simm.s32 $0x2;
	v14 =	vld.idx.msk [tilespmem:v10+s13+$0x0], $0xffff  }
0xd9: {  	v8 =	vmov s31  }
0xda: {  	v8 =	vand.u32 $0x7F, v8  }
0xdb: {  	v10 =	vbroadcast v8, $0x0  }
0xdc: {  	v8 =	vld.idx.msk [tilespmem:v13+s12+$0x0], $0xffff  }
0xdd: {  	s21 =	simm.s32 $0x3;
	v9 =	vimm.f32 $0.0e+00;
	v11 =	vor.u32 v7, v10;
	v10 =	vld.idx.msk [tilespmem:v13+s13+$0x0], $0xffff;
	v12 =	vmul.f32 v14, v12  }
.LBB2_18:
0xde: {  	p0 =	sne.s32 s21, $0x7F  }
.Ltmp12:
0xdf: {  	v13 =	vmov s21;
	v9 =	vadd.f32 v12, v9;
	(pc) =	sbr.rel @p0 .LBB2_18-.Ltmp12, $4  }
0xe0: {  	s21 =	sadd.s32 $0x1, s21;
	v14 =	vand.u32 $0x7F, v13  }
0xe1: {  	v13 =	vbroadcast v14, $0x0  }
0xe2: {  	v12 =	vmov v8;
	v8 =	vld.idx.msk [tilespmem:v11+s12+$0x0], $0xffff  }
0xe3: {  	v12 =	vmul.f32 v10, v12;
	v10 =	vld.idx.msk [tilespmem:v11+s13+$0x0], $0xffff;
	v11 =	vor.u32 v7, v13  }
0xe4: {  	_ =	sdelay $0x3  }
0xe5: {  	v13 =	vld.idx.msk [tilespmem:v11+s12+$0x0], $0xffff  }
0xe6: {  	v62 =	vld.idx.msk [tilespmem:v11+s13+$0x0], $0xffff;
	_ =	sdelay $0x2  }
0xe7: {  	v9 =	vadd.f32 v12, v9;
	v8 =	vmul.f32 v10, v8;
	_ =	sdelay $0x1  }
0xe8: {  	v63 =	vmul.f32 v62, v13;
	v8 =	vadd.f32 v8, v9;
	_ =	sdelay $0x1  }
0xe9: {  	v8 =	vadd.f32 v63, v8;
	_ =	sdelay $0x1  }
.Ltmp13:
0xea: {  	s20 =	sadd.s32 s7, s20;
	[tilespmem:$0x8170] =	vst v8;
	(pc) =	sbr.rel .LBB2_20-.Ltmp13, $4  }
0xeb: {  	[hbm4b:s20+s1] =	stream.linear.scatter [tilespmem:s16], [sflag:$0x3], $0x80, $0x38;
	[tilespmem:$0x8180] =	vst v63  }
0xec: {  	_ =	swait.ge [sflag:s17], $0x80  }
0xed: {  	[sflag:s17] =	ssyncset.done $0x0  }
0xee: {  	[sflag:s17] =	ssyncadd.s32 $0xFFFFFF80  }
.LBB2_22:
0xef: {  	_ =	sfence.sel $0x180000  }
0xf0: {  	[bflag:$0x0] =	sbarrier.arrive $0xFFFF  }
0xf1: {  	p0 =	sne.s32 s4, $0x0;
	_ =	strace $0x90000050  }
0xf2: {  	s0 =	sadd.s32 @!p0 $0x100000, s0;
	[bflag:$0x2] =	sbarrier.arrive $0xFFFF  }
0xf3: {  	[sflag:s0] =	ssyncadd.tile.s32 @!p0 $0x1;
	_ =	shalt  }
.Lfunc_end2:
_tile_overlayer_lowered:
.L_overlay_start_2:
0xf4: {  	(tag) =	ssettag $0x2  }
0xf5: {  	s0 =	rddreg [dreg:$0x0];
	s2 =	stileid.u32  }
0xf6: {  	s1 =	rddreg [dreg:$0x1];
	p0 =	sne.s32 s2, $0x0  }
0xf7: {  	s3 =	rddreg [dreg:$0x2];
	[bflag:$0x3] =	sbarrier.arrive $0xFFFF;
	s2 =	simm.s32 @!p0 $0x1C03  }
0xf8: {  	[timem:s3], [sflag:s2] =	dma.local @!p0 [hbm:s0], s1  }
0xf9: {  	s0 =	simm.s32 @!p0 $0x3  }
0xfa: {  	_ =	swait.ge @!p0 [sflag:s0], s1  }
0xfb: {  	s1 =	ssub.s32 @!p0 $0x0, s1;
	[sflag:s0] =	ssyncset.done @!p0 $0x0  }
0xfc: {  	[sflag:s0] =	ssyncadd.s32 @!p0 s1  }
0xfd: {  	[bflag:$0x3] =	sbarrier.arrive $0xFFFF  }
0xfe: {  	_ =	shalt  }

// kernel: kernel.9.cloned.1.call-start
scs
__scs_entry_jumppad:
0x0: {  	(pc) =	sbr.rel $0x88, $3  }
0x1: {  	(tag) =	ssettag $0x0;
	lr =	simm.s32 $0x1  }
0x2: {  	[smem:$0x3F98] =	sst lr;
	_ =	strace $0xD0000000  }
0x3: {  	_ = 	snop  }
0x4: {  	_ = 	snop  }
0x5: {  	_ = 	snop  }
0x6: {  	_ = 	snop  }
0x7: {  	_ = 	snop  }
__scs_overlays_trampoline_lowered:
0x8: {  	[smem:$0x3FA7] =	sst s0  }
0x9: {  	[smem:$0x3FA8] =	sst s1  }
0xa: {  	[smem:$0x3FA9] =	sst s2  }
0xb: {  	[smem:$0x3FAA] =	sst s3  }
0xc: {  	[smem:$0x3FAB] =	sst s4  }
0xd: {  	[smem:$0x3FAC] =	sst s5  }
0xe: {  	[smem:$0x3FAD] =	sst s6  }
0xf: {  	[smem:$0x3FAE] =	sst s7  }
0x10: {  	[smem:$0x3FAF] =	sst s8  }
0x11: {  	[smem:$0x3FB0] =	sst s9;
	s0 =	simm.s32 @!p0 $0x0  }
0x12: {  	s1 =	sld [smem:$0x3F96];
	s0 =	simm.s32 @p0 $0x1  }
0x13: {  	[smem:$0x3FB1] =	sst s0;
	s0 =	simm.s32 @!p1 $0x0  }
0x14: {  	s2 =	sld [smem:$0x3F95];
	s0 =	simm.s32 @p1 $0x1  }
0x15: {  	[smem:$0x3FB2] =	sst s0;
	s0 =	simm.s32 @!p2 $0x0  }
0x16: {  	s3 =	sld [smem:$0x3FDB];
	s0 =	simm.s32 @p2 $0x1  }
0x17: {  	s4 =	simm.s32 $0x1BF5;
	[smem:$0x3FB4] =	sst s0  }
0x18: {  	s0 =	sld [smem:$0x3F97];
	_ =	swait.ge [sflag:s4], $0x0  }
0x19: {  	s7 =	sld [smem:$0x3F98]  }
0x1a: {  	s8 =	sadd.s32 $0xFFFFE003, lr  }
0x1b: {  	s9 =	sadd.s32 $0xFFFFFEF7, lr;
	s5 =	simm.s32 $0xFFFFFFFF;
	p2 =	slt.u32 s8, $0xFFFFF086  }
0x1c: {  	p1 =	slt.u32 s9, $0xF7A;
	s5 =	simm.s32 @!p2 $0x0  }
0x1d: {  	s5 =	simm.s32 @p1 $0x1;
	p0 =	seq.s32 s7, s2  }
0x1e: {  	s7 =	smul.u32 @!p0 $0xF7A, s2;
	p2 =	seq.s32 @!p0 s5, $0x0  }
0x1f: {  	s9 =	smul.u32 $0xF7A, s1;
	s8 =	simm.s32 @!p0 $0x1BF5;
	p2 =	por !p2, p0  }
0x20: {  	[sflag:s8] =	ssyncset.s32 @!p0 $0xFFFFF086;
	s6 =	sadd.s32 @!p0 s3, s7;
	s7 =	simm.s32 @!p0 $0x108  }
0x21: {  	s3 =	sadd.s32 s3, s9;
	s6 =	sadd.s32 @!p0 $0x88, s6;
	s7 =	simm.s32 @p2 $0x1082  }
0x22: {  	[simem:s7], [sflag:s8] =	dma.local @!p0 [hbm:s6], $0xF7A  }
0x23: {  	s9 =	sor.u32 $0xD0000000, s2;
	s6 =	simm.s32 $0x108;
	_ =	swait.ge @!p0 [sflag:s8], $0x0  }
0x24: {  	s3 =	sadd.s32 $0x88, s3;
	s6 =	simm.s32 @!p1 $0x1082;
	[sflag:s4] =	ssyncset.s32 $0xFFFFF086  }
0x25: {  	[simem:s6], [sflag:s4] =	dma.local [hbm:s3], $0xF7A  }
0x26: {  	[smem:$0x3F98] =	sst s1;
	(tag) =	ssettag s2;
	_ =	strace s9  }
0x27: {  	s1 =	sld [smem:$0x3FA8]  }
0x28: {  	s2 =	sld [smem:$0x3FA9]  }
0x29: {  	s4 =	sld [smem:$0x3FAB]  }
0x2a: {  	p0 =	seq.s32 s5, $0x0;
	s5 =	sld [smem:$0x3FAC]  }
0x2b: {  	s6 =	sld [smem:$0x3FAD]  }
0x2c: {  	s7 =	sld [smem:$0x3FAE]  }
0x2d: {  	s3 =	simm.s32 $0x108;
	s8 =	sld [smem:$0x3FAF]  }
0x2e: {  	s3 =	simm.s32 @!p0 $0x1082;
	s9 =	sld [smem:$0x3FB0]  }
0x2f: {  	lr =	sadd.s32 s0, s3;
	s0 =	sld [smem:$0x3FA7]  }
0x30: {  	s3 =	sld [smem:$0x3FAA]  }
0x31: {  	[smem:$0x3FB3] =	sst s10  }
0x32: {  	s10 =	sld [smem:$0x3FB1];
	_ =	sdelay $0x3  }
0x33: {  	p0 =	seq.s32 s10, $0x1;
	s10 =	sld [smem:$0x3FB3];
	_ =	sdelay $0x3  }
0x34: {  	[smem:$0x3FB3] =	sst s10  }
0x35: {  	s10 =	sld [smem:$0x3FB2];
	_ =	sdelay $0x3  }
0x36: {  	p1 =	seq.s32 s10, $0x1;
	s10 =	sld [smem:$0x3FB3];
	_ =	sdelay $0x3  }
0x37: {  	[smem:$0x3FB3] =	sst s10  }
0x38: {  	s10 =	sld [smem:$0x3FB4]  }
0x39: {  	_ = 	snop;
	(pc) =	sbr.ind lr, $3  }
0x3a: {  	_ = 	snop  }
0x3b: {  	_ = 	snop  }
0x3c: {  	p2 =	seq.s32 s10, $0x1;
	s10 =	sld [smem:$0x3FB3]  }
0x3d: {  	_ =	shalt  }
0x3e: {  	_ =	shalt  }
0x3f: {  	_ =	shalt  }
0x40: {  	_ =	shalt  }
0x41: {  	_ =	shalt  }
0x42: {  	_ =	shalt  }
0x43: {  	_ =	shalt  }
0x44: {  	_ =	shalt  }
0x45: {  	_ =	shalt  }
0x46: {  	_ =	shalt  }
0x47: {  	_ =	shalt  }
0x48: {  	_ =	shalt  }
0x49: {  	_ =	shalt  }
0x4a: {  	_ =	shalt  }
0x4b: {  	_ =	shalt  }
0x4c: {  	_ =	shalt  }
0x4d: {  	_ =	shalt  }
0x4e: {  	_ =	shalt  }
0x4f: {  	_ =	shalt  }
0x50: {  	_ =	shalt  }
0x51: {  	_ =	shalt  }
0x52: {  	_ =	shalt  }
0x53: {  	_ =	shalt  }
0x54: {  	_ =	shalt  }
0x55: {  	_ =	shalt  }
0x56: {  	_ =	shalt  }
0x57: {  	_ =	shalt  }
0x58: {  	_ =	shalt  }
0x59: {  	_ =	shalt  }
0x5a: {  	_ =	shalt  }
0x5b: {  	_ =	shalt  }
0x5c: {  	_ =	shalt  }
0x5d: {  	_ =	shalt  }
0x5e: {  	_ =	shalt  }
0x5f: {  	_ =	shalt  }
0x60: {  	_ =	shalt  }
0x61: {  	_ =	shalt  }
0x62: {  	_ =	shalt  }
0x63: {  	_ =	shalt  }
0x64: {  	_ =	shalt  }
0x65: {  	_ =	shalt  }
0x66: {  	_ =	shalt  }
0x67: {  	_ =	shalt  }
0x68: {  	_ =	shalt  }
0x69: {  	_ =	shalt  }
0x6a: {  	_ =	shalt  }
0x6b: {  	_ =	shalt  }
0x6c: {  	_ =	shalt  }
0x6d: {  	_ =	shalt  }
0x6e: {  	_ =	shalt  }
0x6f: {  	_ =	shalt  }
0x70: {  	_ =	shalt  }
0x71: {  	_ =	shalt  }
0x72: {  	_ =	shalt  }
0x73: {  	_ =	shalt  }
0x74: {  	_ =	shalt  }
0x75: {  	_ =	shalt  }
0x76: {  	_ =	shalt  }
0x77: {  	_ =	shalt  }
0x78: {  	_ =	shalt  }
0x79: {  	_ =	shalt  }
0x7a: {  	_ =	shalt  }
0x7b: {  	_ =	shalt  }
0x7c: {  	_ =	shalt  }
0x7d: {  	_ =	shalt  }
0x7e: {  	_ =	shalt  }
0x7f: {  	_ =	shalt  }
0x80: {  	_ =	shalt  }
0x81: {  	_ =	shalt  }
0x82: {  	_ =	shalt  }
0x83: {  	_ =	shalt  }
0x84: {  	_ =	shalt  }
0x85: {  	_ =	shalt  }
0x86: {  	_ =	shalt  }
0x87: {  	_ =	shalt  }
.Lfunc_end0:
.L_simem_size_0:
called_computation_lowered:
.L_overlay_start_0:
0x88: {  	s2 =	sld [smem:$0x3FD9]  }
0x89: {  	s3 =	sld [smem:$0x3FFE];
	_ =	sdelay $0x1  }
0x8a: {  	s1 =	srdreg.scid  }
0x8b: {  	s0 =	sand.u32 $0x1, s1  }
0x8c: {  	s14 =	sshll.u32 s0, $0xA;
	s2 =	sadd.s32 s3, s2  }
0x8d: {  	s2 =	sadd.s32 s2, s14  }
0x8e: {  	[smem:$0x3FBF] =	sst s2  }
0x8f: {  	_ = 	snop  }
0x90: {  	s2 =	sld [smem:$0x3FD0];
	_ =	sdelay $0x2  }
0x91: {  	s15 =	simm.s32 $0xA;
	s4 =	simm.s32 $0x10  }
0x92: {  	[smem:s4], [sflag:s15] =	dma.local [hbm:s2], $0x1  }
0x93: {  	_ =	swait.eq [sflag:s15], $0x1  }
0x94: {  	[sflag:s15] =	ssyncset.done $0x0  }
0x95: {  	s16 =	sld [smem:$0x10];
	[sflag:s15] =	ssyncadd.s32 $0xFFFFFFFF  }
0x96: {  	s17 =	sld [smem:$0x11];
	(tm) =	ssettm $0x1  }
0x97: {  	s18 =	sld [smem:$0x3FFB];
	_ =	sdelay $0x3  }
0x98: {  	_ =	strace s18  }
0x99: {  	s4 =	sld [smem:$0x3FFC];
	_ =	sdelay $0x3  }
0x9a: {  	_ =	strace s4  }
0x9b: {  	s4 =	sld [smem:$0x3FFD];
	_ =	sdelay $0x3  }
0x9c: {  	_ =	strace s4  }
0x9d: {  	_ =	strace $0x8FFFFFFF  }
0x9e: {  	s19 =	sld [smem:$0x3FDB];
	_ =	sdelay $0x1  }
0x9f: {  	s5 =	simm.s32 $_scs_section_size  }
0xa0: {  	s6 =	simm.s32 $_size__tile_overlayer_lowered;
	s7 =	simm.s32 $_tile_overlayer_lowered  }
0xa1: {  	s22 =	simm.s32 $0x1BFF;
	s21 =	sshll.u32 s7, $0x1;
	s4 =	sadd.s32 s5, s19  }
0xa2: {  	s8 =	simm.s32 $0x0;
	s20 =	sshll.u32 s6, $0x1;
	s6 =	sadd.s32 s21, s4  }
0xa3: {  	[timem:s8], [sflag:s22] =	dma.local [hbm:s6], s20  }
0xa4: {  	_ =	swait.ge [sflag:s22], s20  }
0xa5: {  	s5 =	ssub.s32 $0x0, s20;
	[sflag:s22] =	ssyncset.done $0x0  }
0xa6: {  	[sflag:s22] =	ssyncadd.s32 s5;
	_ =	sdelay $0x1  }
0xa7: {  	s23 =	simm.s32 $0x1B8B  }
0xa8: {  	_ =	swait.ge [sflag:s23], $0x1  }
0xa9: {  	[sflag:s23] =	ssyncset.done $0x0  }
0xaa: {  	s25 =	simm.s32 $0x1B8E;
	s24 =	sld [smem:$0x3FFE];
	[sflag:s23] =	ssyncadd.s32 $0xFFFFFFFF  }
0xab: {  	s26 =	simm.s32 $execute0_lowered;
	[smem:$0x3FD2] =	sst s25  }
0xac: {  	s6 =	sshll.u32 s26, $0x1;
	_ =	strace $0x80000046;
	[dreg:$0x1] =	wrdreg $0xFFFFFFFF  }
0xad: {  	s28 =	simm.s32 $_size_execute0_lowered;
	s4 =	sadd.s32 s4, s6;
	[dreg:$0x0] =	wrdreg $0x0  }
0xae: {  	s6 =	sshll.u32 s28, $0x1;
	[dreg:$0x2] =	wrdreg s4  }
0xaf: {  	[dreg:$0x3] =	wrdreg s6  }
0xb0: {  	[dreg:$0x4] =	wrdreg $0xC0  }
0xb1: {  	_ =	task [dreg:s8], $0x5FFFF  }
0xb2: {  	[dreg:$0x1] =	wrdreg $0xFFFFFFFF  }
0xb3: {  	[dreg:$0x0] =	wrdreg $0x60  }
0xb4: {  	[dreg:$0x2] =	wrdreg s24  }
0xb5: {  	[dreg:$0x3] =	wrdreg s16  }
0xb6: {  	[dreg:$0x4] =	wrdreg s17  }
0xb7: {  	[dreg:$0x5] =	wrdreg $0x0  }
0xb8: {  	[dreg:$0x6] =	wrdreg $0x9  }
0xb9: {  	_ =	task.clear_ibuf [dreg:s8], $0x7FFFF;
	_ =	strace $0x90000046  }
0xba: {  	s29 =	simm.s32 $0x9;
	_ =	strace $0x80000048  }
0xbb: {  	_ =	swait.ge [sflag:s29], $0x1  }
0xbc: {  	[sflag:s29] =	ssyncadd.s32 $0xFFFFFFFF  }
0xbd: {  	_ =	strace $0x90000048  }
0xbe: {  	_ =	sfence  }
0xbf: {  	s30 =	sld [smem:$0x0];
	_ =	sdelay $0x2  }
0xc0: {  	s31 =	sshll.u32 s1, $0xD;
	s1 =	sshrl.u32 s1, $0x2  }
0xc1: {  	s3 =	sand.u32 $0x4000, s31;
	s1 =	sadd.s32 s1, s30  }
0xc2: {  	s0 =	sor.u32 s3, s0;
	s1 =	sshll.u32 s1, $0x11  }
0xc3: {  	s0 =	sor.u32 s1, s0  }
0xc4: {  	s0 =	sadd.s32 $0x8F2B, s0  }
0xc5: {  	[sflag:s0] =	ssyncadd.remote.s32 $0x1  }
0xc6: {  	_ =	sfence.sel $0xFFFF  }
0xc7: {  	[dreg:$0x0] =	wrdreg $0xFFFFFFFF;
	(pc) =	sbr.abs _section_cstart, $3  }
0xc8: {  	[dreg:$0x1] =	wrdreg $0xFFFFFFFF  }
0xc9: {  	_ =	task.clear_ibuf [dreg:s8], $0x2FFFF;
	_ =	strace $0x9FFFFFFF  }
0xca: {  	(tm) =	ssettm $0x7FFFFFFF  }
0xcb: {  	_ =	shalt  }
tec
execute0_lowered:
.L_overlay_start_1:
0x0: {  	(tag) =	ssettag $0x1  }
0x1: {  	s5 =	rddreg [dreg:$0x0]  }
0x2: {  	s1 =	rddreg [dreg:$0x1]  }
0x3: {  	s8 =	rddreg [dreg:$0x2]  }
0x4: {  	s2 =	rddreg [dreg:$0x3]  }
0x5: {  	s0 =	rddreg [dreg:$0x4];
	s4 =	simm.s32 $0x0;
	s6 =	srdreg.scid  }
0x6: {  	s3 =	stileid.u32;
	[smem:$0x7FF] =	sst s4;
	s7 =	sand.u32 $0x1, s6  }
0x7: {  	s9 =	smul.u32 $0xA00, s3;
	s10 =	sshll.u32 s3, $0x5;
	s31 =	sshll.u32 s3, $0x6  }
0x8: {  	_ =	strace $0x80000047;
	s6 =	ssub.s32 $0x2, s7;
	s12 =	smul.u32 $0xA000, s7  }
0x9: {  	s10 =	sadd.s32 s10, s5;
	s5 =	sadd.s32 $0x50400, s5;
	s14 =	sshll.u32 s7, $0x4  }
0xa: {  	s7 =	sor.u32 $0x1C01, s31;
	s11 =	sshrl.u32 s6, $0x1;
	s13 =	sadd.s32 s9, s2  }
0xb: {  	s10 =	sadd.s32 s14, s10;
	s14 =	simm.s32 $0x0;
	s9 =	sadd.s32 s9, s12  }
0xc: {  	s11 =	ssub.s32 s6, s11;
	s6 =	sshll.u32 s3, $0x1;
	s9 =	sshrl.u32 s9, $0x3  }
0xd: {  	s10 =	sadd.s32 $0x29200, s10;
	s12 =	simm.s32 $0x1;
	s8 =	sadd.s32 s8, s9  }
0xe: {  	s9 =	smax.u32 s11, $0x1;
	s11 =	sshrl.u32 s13, $0x3;
	s13 =	simm.s32 $0xA80  }
.LBB2_1:
0xf: {  	[spmem:s11], [sflag:s7] =	dma.local [hbm:s1], $0x140  }
0x10: {  	_ =	swait.ge [sflag:s12], $0x140  }
0x11: {  	[sflag:s12] =	ssyncset.done $0x0  }
0x12: {  	[sflag:s12] =	ssyncadd.s32 $0xFFFFFEC0  }
0x13: {  	[tilespmem:s13], [sflag:$0x1] =	stream.linear.gather [hbm4b:s5+s4], $0x80, $0x38;
	[tilespmem:$0xB00] =	vst v63  }
0x14: {  	s15 =	sadd.s32 $0x0, s6;
	_ =	swait.ge [sflag:s12], $0x80  }
0x15: {  	p1 =	sgt.u32 s15, $0x270F;
	[sflag:s12] =	ssyncset.done $0x0  }
0x16: {  	p0 =	por p1, p1;
	s15 =	simm.s32 @!p1 $0x0;
	[sflag:s12] =	ssyncadd.s32 $0xFFFFFF80  }
0x17: {  	s16 =	simm.s32 @!p1 $0xA00;
	s17 =	simm.s32 @!p0 $0x2;
	[bflag:$0x0] =	sbarrier.arrive $0xFFFF  }
0x18: {  	[tilespmem:s16], [sflag:$0x2] =	stream.linear.gather @!p0 [hbm4b:s10+s15], $0x80, $0x38;
	[tilespmem:$0xB00] =	vst v63  }
0x19: {  	_ =	swait.ge @!p0 [sflag:s17], $0x80  }
0x1a: {  	s31 =	sadd.s32 $0x20, s6;
	[sflag:s17] =	ssyncset.done @!p0 $0x0  }
0x1b: {  	s15 =	simm.s32 @!p0 $0x80;
	[sflag:s17] =	ssyncadd.s32 @!p0 $0xFFFFFF80;
	s17 =	simm.s32 @!p0 $0xA80  }
0x1c: {  	[spmem:s2] =	stream.indirect.scatter.add.f32 @!p0 [tilespmem:s17], [sflag:$0x1], $0x1, s16, s15, $0xb8;
	[tilespmem:$0xB00] =	vst v63  }
0x1d: {  	p1 =	sgt.u32 s31, $0x270F;
	s17 =	simm.s32 @!p0 $0x1  }
0x1e: {  	s16 =	simm.s32 $0x40;
	s15 =	sadd.s32 $0x200, s10;
	_ =	swait.ge @!p0 [sflag:s17], $0x80  }
.LBB2_2:
0x1f: {  	s18 =	simm.s32 @!p1 $0x0  }
0x20: {  	s19 =	simm.s32 @!p1 $0xA00;
	[sflag:s17] =	ssyncset.done @!p0 $0x0;
	s20 =	smov.u32 s16  }
0x21: {  	p2 =	por p0, p0;
	p0 =	por p1, p1;
	s16 =	sadd.s32 $0x20, s16  }
0x22: {  	s21 =	simm.s32 @!p0 $0x2;
	[sflag:s17] =	ssyncadd.s32 @!p2 $0xFFFFFF80;
	p2 =	sne.s32 s16, $0x2720  }
0x23: {  	[tilespmem:s19], [sflag:$0x2] =	stream.linear.gather @!p0 [hbm4b:s15+s18], $0x80, $0x38;
	[tilespmem:$0xB00] =	vst v63  }
.Ltmp0:
0x24: {  	_ =	swait.ge @!p0 [sflag:s21], $0x80;
	(pc) =	sbr.rel @p2 .LBB2_2-.Ltmp0, $4  }
0x25: {  	s17 =	simm.s32 @!p0 $0x1;
	s18 =	sadd.s32 s20, s6;
	[sflag:s21] =	ssyncset.done @!p0 $0x0  }
0x26: {  	s20 =	simm.s32 @!p0 $0x80;
	[sflag:s21] =	ssyncadd.s32 @!p0 $0xFFFFFF80;
	s21 =	simm.s32 @!p0 $0xA80  }
0x27: {  	[spmem:s2] =	stream.indirect.scatter.add.f32 @!p0 [tilespmem:s21], [sflag:$0x1], $0x1, s19, s20, $0xb8;
	[tilespmem:$0xB00] =	vst v63  }
0x28: {  	s15 =	sadd.s32 $0x200, s15;
	p1 =	sgt.u32 s18, $0x270F;
	_ =	swait.ge @!p0 [sflag:s17], $0x80  }
0x29: {  	s16 =	simm.s32 @!p1 $0x0  }
0x2a: {  	[sflag:s17] =	ssyncset.done @!p0 $0x0;
	p0 =	por p0, p0;
	p2 =	por p1, p1  }
0x2b: {  	s18 =	simm.s32 @!p1 $0xA00;
	s19 =	simm.s32 @!p2 $0x2;
	[sflag:s17] =	ssyncadd.s32 @!p0 $0xFFFFFF80  }
0x2c: {  	[tilespmem:s18], [sflag:$0x2] =	stream.linear.gather @!p2 [hbm4b:s15+s16], $0x80, $0x38;
	[tilespmem:$0xB00] =	vst v63  }
0x2d: {  	_ =	swait.ge @!p2 [sflag:s19], $0x80  }
0x2e: {  	s17 =	simm.s32 @!p2 $0xA80;
	[sflag:s19] =	ssyncset.done @!p2 $0x0  }
0x2f: {  	s15 =	simm.s32 @!p2 $0x1;
	s16 =	simm.s32 @!p2 $0x80;
	[sflag:s19] =	ssyncadd.s32 @!p2 $0xFFFFFF80  }
0x30: {  	[spmem:s2] =	stream.indirect.scatter.add.f32 @!p2 [tilespmem:s17], [sflag:$0x1], $0x1, s18, s16, $0xb8;
	[tilespmem:$0xB00] =	vst v63  }
0x31: {  	_ =	swait.ge @!p2 [sflag:s15], $0x80  }
0x32: {  	s14 =	sadd.s32 $0x1, s14;
	p0 =	por p2, p2;
	[sflag:s15] =	ssyncset.done @!p2 $0x0  }
0x33: {  	[sflag:s15] =	ssyncadd.s32 @!p0 $0xFFFFFF80;
	p0 =	sne.s32 s14, s9  }
.Ltmp1:
0x34: {  	[bflag:$0x0] =	sbarrier.arrive $0xFFFF;
	(pc) =	sbr.rel @p0 .LBB2_1-.Ltmp1, $4  }
0x35: {  	[hbm:s8], [sflag:s7] =	dma.local [spmem:s11], $0x140  }
0x36: {  	_ =	swait.ge [sflag:s12], $0x140  }
0x37: {  	[sflag:s12] =	ssyncset.done $0x0  }
0x38: {  	[sflag:s12] =	ssyncadd.s32 $0xFFFFFEC0  }
0x39: {  	_ =	sfence.sel $0x180000  }
0x3a: {  	[bflag:$0x0] =	sbarrier.arrive $0xFFFF  }
0x3b: {  	p0 =	sne.s32 s3, $0x0;
	_ =	strace $0x90000047  }
0x3c: {  	s0 =	sadd.s32 @!p0 $0x100000, s0;
	[bflag:$0x2] =	sbarrier.arrive $0xFFFF  }
0x3d: {  	[sflag:s0] =	ssyncadd.tile.s32 @!p0 $0x1;
	_ =	shalt  }
.Lfunc_end2:
_tile_overlayer_lowered:
.L_overlay_start_2:
0x3e: {  	(tag) =	ssettag $0x2  }
0x3f: {  	s0 =	rddreg [dreg:$0x0];
	s2 =	stileid.u32  }
0x40: {  	s1 =	rddreg [dreg:$0x1];
	p0 =	sne.s32 s2, $0x0  }
0x41: {  	s3 =	rddreg [dreg:$0x2];
	[bflag:$0x3] =	sbarrier.arrive $0xFFFF;
	s2 =	simm.s32 @!p0 $0x1C01  }
0x42: {  	[timem:s3], [sflag:s2] =	dma.local @!p0 [hbm:s0], s1  }
0x43: {  	s0 =	simm.s32 @!p0 $0x1  }
0x44: {  	_ =	swait.ge @!p0 [sflag:s0], s1  }
0x45: {  	s1 =	ssub.s32 @!p0 $0x0, s1;
	[sflag:s0] =	ssyncset.done @!p0 $0x0  }
0x46: {  	[sflag:s0] =	ssyncadd.s32 @!p0 s1  }
0x47: {  	[bflag:$0x3] =	sbarrier.arrive $0xFFFF  }
0x48: {  	_ =	shalt  }

</sc_bundles>
